<compile_context>
chip_gen: v7x
topology: tpu7x:2x2x1
jax: 0.10.2.dev20260603
libtpu: 0.0.44.dev20260713+nightly
codegen_flags: <defaults>
</compile_context>

<pallas_src>
import functools

import jax
import jax.numpy as jnp
from jax import lax
from jax.experimental import pallas as pl
from jax.experimental.pallas import tpu as pltpu
from jax.experimental.pallas import tpu_sc as plsc

N_NODES = 10000
D = 128
EPS = 1e-5

NC = 2
NS = 16
NW = NC * NS
CHUNK = 128

NP = 10240
ROWS_PER_TILE = NP // NS


def _zero_rows(buf, nrows, ncols):
    def row(i, _):
        def seg(j, _):
            buf[i, pl.ds(j * 16, 16)] = jnp.zeros((16,), jnp.float32)
            return 0
        return lax.fori_loop(0, ncols // 16, seg, 0)
    lax.fori_loop(0, nrows, row, 0)


def _make_hist(e_pad):
    chunks_per_worker = e_pad // (NW * CHUNK)
    mesh = plsc.VectorSubcoreMesh(core_axis_name="c", subcore_axis_name="s")

    @functools.partial(
        pl.kernel,
        out_type=jax.ShapeDtypeStruct((NC * NP,), jnp.float32),
        mesh=mesh,
        scratch_types=[
            pltpu.VMEM((CHUNK,), jnp.int32),
            pltpu.VMEM((CHUNK,), jnp.float32),
            pltpu.VMEM((ROWS_PER_TILE,), jnp.float32),
            pltpu.VMEM_SHARED((NP,), jnp.float32),
        ],
    )
    def hist(dst_hbm, out_hbm, didx, ones_v, col_v, acc):
        c = lax.axis_index("c")
        s = lax.axis_index("s")
        wid = s * NC + c

        def fill(i, _):
            ones_v[pl.ds(i * 16, 16)] = jnp.ones((16,), jnp.float32)
            return 0
        lax.fori_loop(0, CHUNK // 16, fill, 0)

        def zero(i, _):
            col_v[pl.ds(i * 16, 16)] = jnp.zeros((16,), jnp.float32)
            return 0
        lax.fori_loop(0, ROWS_PER_TILE // 16, zero, 0)
        pltpu.sync_copy(col_v, acc.at[pl.ds(s * ROWS_PER_TILE, ROWS_PER_TILE)])
        plsc.subcore_barrier()

        base_w = wid * chunks_per_worker * CHUNK

        def body(i, _):
            base = pl.multiple_of(base_w + i * CHUNK, CHUNK)
            pltpu.sync_copy(dst_hbm.at[pl.ds(base, CHUNK)], didx)
            pltpu.sync_copy(ones_v, acc.at[didx], add=True)
            return 0
        lax.fori_loop(0, chunks_per_worker, body, 0)
        plsc.subcore_barrier()
        pltpu.sync_copy(acc.at[pl.ds(s * ROWS_PER_TILE, ROWS_PER_TILE)], col_v)
        pltpu.sync_copy(
            col_v, out_hbm.at[pl.ds(c * NP + s * ROWS_PER_TILE, ROWS_PER_TILE)]
        )

    return hist


def _make_edge_agg(e_pad):
    chunks_per_worker = e_pad // (NW * CHUNK)
    mesh = plsc.VectorSubcoreMesh(core_axis_name="c", subcore_axis_name="s")

    @functools.partial(
        pl.kernel,
        out_type=jax.ShapeDtypeStruct((NC, NP, D), jnp.float32),
        mesh=mesh,
        scratch_types=[
            pltpu.VMEM((CHUNK,), jnp.int32),
            pltpu.VMEM((CHUNK,), jnp.int32),
            pltpu.VMEM((CHUNK, D), jnp.float32),
            pltpu.VMEM_SHARED((NP, D), jnp.float32),
            pltpu.SemaphoreType.DMA,
        ],
    )
    def agg(y_hbm, src_hbm, dst_hbm, out_hbm, sidx, didx, rows, acc, sem):
        c = lax.axis_index("c")
        s = lax.axis_index("s")
        wid = s * NC + c

        _zero_rows(rows, CHUNK, D)
        for k in range(ROWS_PER_TILE // CHUNK):
            pltpu.sync_copy(
                rows, acc.at[pl.ds(s * ROWS_PER_TILE + k * CHUNK, CHUNK)]
            )
        plsc.subcore_barrier()

        base_w = wid * chunks_per_worker * CHUNK

        def body(i, _):
            base = pl.multiple_of(base_w + i * CHUNK, CHUNK)
            pltpu.sync_copy(src_hbm.at[pl.ds(base, CHUNK)], sidx)
            pltpu.sync_copy(dst_hbm.at[pl.ds(base, CHUNK)], didx)
            pltpu.async_copy(y_hbm.at[sidx], rows, sem).wait()
            pltpu.sync_copy(rows, acc.at[didx], add=True)
            return 0
        lax.fori_loop(0, chunks_per_worker, body, 0)
        plsc.subcore_barrier()
        pltpu.sync_copy(
            acc.at[pl.ds(s * ROWS_PER_TILE, ROWS_PER_TILE)],
            out_hbm.at[c, pl.ds(s * ROWS_PER_TILE, ROWS_PER_TILE)],
        )

    return agg


def _prep_body(deg_ref, x_ref, w_ref, xw_ref, y_ref):
    dis = lax.rsqrt(deg_ref[...] + 1.0)
    xw = jnp.dot(x_ref[...], w_ref[...], preferred_element_type=jnp.float32)
    xw_ref[...] = xw
    y_ref[...] = xw * dis


def _layer_body(acc_ref, xw_ref, deg_ref, b_ref, g_ref, bt_ref, w_ref,
                xw2_ref, y2_ref):
    dis = lax.rsqrt(deg_ref[...] + 1.0)
    xw = xw_ref[...]
    h = dis * (acc_ref[0] + acc_ref[1]) + (dis * dis) * xw + b_ref[...]
    hr = h[:N_NODES]
    mean = jnp.mean(hr, axis=0, keepdims=True)
    var = jnp.mean((hr - mean) ** 2, axis=0, keepdims=True)
    hbn = g_ref[...] * (h - mean) * lax.rsqrt(var + EPS) + bt_ref[...]
    xw2 = jnp.dot(hbn, w_ref[...], preferred_element_type=jnp.float32)
    xw2_ref[...] = xw2
    y2_ref[...] = xw2 * dis


def _final_body(acc_ref, xw_ref, deg_ref, b_ref, g_ref, bt_ref, w_ref,
                bfc_ref, out_ref):
    dis = lax.rsqrt(deg_ref[...] + 1.0)
    xw = xw_ref[...]
    h = dis * (acc_ref[0] + acc_ref[1]) + (dis * dis) * xw + b_ref[...]
    hr = h[:N_NODES]
    mean = jnp.mean(hr, axis=0, keepdims=True)
    var = jnp.mean((hr - mean) ** 2, axis=0, keepdims=True)
    hbn = g_ref[...] * (h - mean) * lax.rsqrt(var + EPS) + bt_ref[...]
    out_ref[...] = (
        jnp.dot(hbn, w_ref[...], preferred_element_type=jnp.float32)
        + bfc_ref[...]
    )


_f32 = jnp.float32


def _prep(deg_col, x_p, W1):
    return pl.pallas_call(
        _prep_body,
        out_shape=(
            jax.ShapeDtypeStruct((NP, D), _f32),
            jax.ShapeDtypeStruct((NP, D), _f32),
        ),
    )(deg_col, x_p, W1)


def _layer(acc, xw, deg_col, b, g, bt, W2):
    return pl.pallas_call(
        _layer_body,
        out_shape=(
            jax.ShapeDtypeStruct((NP, D), _f32),
            jax.ShapeDtypeStruct((NP, D), _f32),
        ),
    )(acc, xw, deg_col, b, g, bt, W2)


def _final(acc, xw, deg_col, b, g, bt, Wfc, bfc):
    return pl.pallas_call(
        _final_body,
        out_shape=jax.ShapeDtypeStruct((NP, D), _f32),
    )(acc, xw, deg_col, b, g, bt, Wfc, bfc)


def kernel(x, edge_index, W1, b1, g1, bt1, W2, b2, g2, bt2, Wfc, bfc):
    src = edge_index[0].astype(jnp.int32)
    dst = edge_index[1].astype(jnp.int32)
    n_edges = src.shape[0]
    cpw = -(-n_edges // (NW * CHUNK))
    e_pad = cpw * NW * CHUNK
    pad = e_pad - n_edges
    src_p = jnp.concatenate([src, jnp.full((pad,), N_NODES, jnp.int32)])
    dst_p = jnp.concatenate([dst, jnp.full((pad,), N_NODES, jnp.int32)])
    x_p = jnp.concatenate([x, jnp.zeros((NP - N_NODES, D), x.dtype)])

    b1r, g1r, bt1r = (v.reshape(1, D) for v in (b1, g1, bt1))
    b2r, g2r, bt2r = (v.reshape(1, D) for v in (b2, g2, bt2))
    bfcr = bfc.reshape(1, D)

    hist = _make_hist(e_pad)
    agg = _make_edge_agg(e_pad)

    degflat = hist(dst_p)
    deg_col = (degflat[:NP] + degflat[NP:])[:, None]

    xw1, y1 = _prep(deg_col, x_p, W1)
    acc1 = agg(y1, src_p, dst_p)
    xw2, y2 = _layer(acc1, xw1, deg_col, b1r, g1r, bt1r, W2)
    acc2 = agg(y2, src_p, dst_p)
    out_full = _final(acc2, xw2, deg_col, b2r, g2r, bt2r, Wfc, bfcr)
    return out_full[:N_NODES]

# --- scband reference (transcript-rebuilt; emitter-appended) ---
"""Pipeline reference for scband-gcn-35588099015570 (READ-ONLY COPY).

The authoritative reference and input builder live on the scoring server;
editing this copy changes nothing except your own understanding.
"""

import jax, jax.numpy as jnp
import numpy as np

N_NODES = 10000
N_EDGES = 320000
D_FEAT = 128
HIDDEN = 128
EPS = 1e-5


def gcn_conv(x, edge_index, W, b):
    # Faithful PyG GCNConv: add self-loops, symmetric normalization, linear transform, scatter-add aggregation.
    N = x.shape[0]
    loop = jnp.arange(N, dtype=edge_index.dtype)
    src = jnp.concatenate([edge_index[0], loop])
    dst = jnp.concatenate([edge_index[1], loop])
    deg = jnp.zeros((N,), dtype=x.dtype).at[dst].add(1.0)
    deg_inv_sqrt = jnp.where(deg > 0, deg ** -0.5, 0.0)
    norm = deg_inv_sqrt[src] * deg_inv_sqrt[dst]
    xw = x @ W
    msg = xw[src] * norm[:, None]
    out = jnp.zeros((N, xw.shape[1]), dtype=x.dtype).at[dst].add(msg)
    return out + b


def batch_norm(x, gamma, beta):
    # BatchNorm1d in training mode: batch statistics (biased variance), affine transform.
    mean = jnp.mean(x, axis=0)
    var = jnp.var(x, axis=0)
    return gamma * (x - mean) / jnp.sqrt(var + EPS) + beta


def setup_inputs(seed: int = 0) -> dict:
    key = jax.random.key(seed)
    ks = jax.random.split(key, 8)
    x = jax.random.normal(ks[0], (N_NODES, D_FEAT), dtype=jnp.float32)
    edge_index = jax.random.randint(ks[1], (2, N_EDGES), 0, N_NODES, dtype=jnp.int64)
    # Xavier-uniform linear weights (stored as [in, out] for x @ W)
    def xavier(k, fan_in, fan_out):
        a = float(np.sqrt(6.0 / (fan_in + fan_out)))
        return jax.random.uniform(k, (fan_in, fan_out), dtype=jnp.float32, minval=-a, maxval=a)
    W1 = xavier(ks[2], D_FEAT, HIDDEN)
    b1 = jnp.zeros((HIDDEN,), dtype=jnp.float32)
    g1 = jnp.ones((HIDDEN,), dtype=jnp.float32)
    bt1 = jnp.zeros((HIDDEN,), dtype=jnp.float32)
    W2 = xavier(ks[3], HIDDEN, HIDDEN)
    b2 = jnp.zeros((HIDDEN,), dtype=jnp.float32)
    g2 = jnp.ones((HIDDEN,), dtype=jnp.float32)
    bt2 = jnp.zeros((HIDDEN,), dtype=jnp.float32)
    Wfc = xavier(ks[4], HIDDEN, HIDDEN)
    bfc = jnp.zeros((HIDDEN,), dtype=jnp.float32)
    return {"x": x, "edge_index": edge_index, "W1": W1, "b1": b1, "g1": g1, "bt1": bt1,
            "W2": W2, "b2": b2, "g2": g2, "bt2": bt2, "Wfc": Wfc, "bfc": bfc}


def reference(x, edge_index, W1, b1, g1, bt1, W2, b2, g2, bt2, Wfc, bfc):
    h = gcn_conv(x, edge_index, W1, b1)
    h = batch_norm(h, g1, bt1)
    # dropout: identity in eval mode
    h = gcn_conv(h, edge_index, W2, b2)
    h = batch_norm(h, g2, bt2)
    # dropout: identity in eval mode
    out = h @ Wfc + bfc
    return out

if __name__ == "__main__":
    import jax
    _d = setup_inputs()
    print(jax.jit(kernel)(*tuple(_d.values())))

</pallas_src>

<mosaic_0001>
#map = affine_map<(d0, d1) -> (0, 0)>
#map1 = affine_map<(d0, d1) -> (0)>
#map2 = affine_map<(d0, d1) -> (0, 0, 0)>
module attributes {stable_mosaic.version = 14 : i64} {
  func.func @agg(%arg0: i32, %arg1: i32, %arg2: memref<10240x128xf32, #tpu.memory_space<hbm>>, %arg3: memref<323584xi32, #tpu.memory_space<hbm>>, %arg4: memref<323584xi32, #tpu.memory_space<hbm>>, %arg5: memref<2x10240x128xf32, #tpu.memory_space<hbm>>, %arg6: memref<128xi32, #tpu.memory_space<vmem>>, %arg7: memref<128xi32, #tpu.memory_space<vmem>>, %arg8: memref<128x128xf32, #tpu.memory_space<vmem>>, %arg9: memref<10240x128xf32, #tpu.memory_space<vmem_shared>>, %arg10: memref<!tpu.dma_semaphore, #tpu.memory_space<semaphore_mem>>) attributes {dimension_semantics = [#tpu.dimension_semantics<core_parallel>, #tpu.dimension_semantics<subcore_parallel>], iteration_bounds = array<i64: 2, 16>, scalar_prefetch = 0 : i64, scratch_operands = 5 : i64, tpu.core_type = #tpu.core_type<sc_vector_subcore>, window_params = [{transform_indices = #map}, {transform_indices = #map1}, {transform_indices = #map1}, {transform_indices = #map2}]} {
    %mul3A = arith.constant 2 : i32
    %mul3A_0 = arith.muli %arg1, %mul3A : i32
    %add3A = arith.addi %mul3A_0, %arg0 : i32
    %scan3A = arith.constant 0 : i32
    %scan3A_1 = arith.constant 0 : i32
    %scan3A_2 = arith.constant 128 : i32
    %scan3A_3 = arith.addi %scan3A_1, %scan3A_2 : i32
    %scan3A_4 = arith.constant 1 : i32
    %scan3A_5 = scf.for %scan3A_43 = %scan3A_1 to %scan3A_3 step %scan3A_4 iter_args(%scan3A_44 = %scan3A) -> (i32)  : i32 {
      %scan3A_45 = arith.constant 0 : i32
      %scan3A_46 = arith.constant 0 : i32
      %scan3A_47 = arith.constant 8 : i32
      %scan3A_48 = arith.addi %scan3A_46, %scan3A_47 : i32
      %scan3A_49 = arith.constant 1 : i32
      %scan3A_50 = scf.for %scan3A_52 = %scan3A_46 to %scan3A_48 step %scan3A_49 iter_args(%scan3A_53 = %scan3A_45) -> (i32)  : i32 {
        %broadcast_in_dim3A = arith.constant 0.000000e+00 : f32
        %broadcast_in_dim3A_54 = vector.broadcast %broadcast_in_dim3A : f32 to vector<16xf32>
        %mul3A_55 = arith.constant 16 : i32
        %mul3A_56 = arith.muli %scan3A_52, %mul3A_55 : i32
        %swap3A = arith.index_cast %scan3A_43 : i32 to index
        %swap3A_57 = arith.index_cast %mul3A_56 : i32 to index
        %swap3A_58 = tpu.vector_load %arg8[%swap3A, %swap3A_57] {strides = array<i32>} : memref<128x128xf32, #tpu.memory_space<vmem>>, vector<1x16xf32>,
        %swap3A_59 = vector.shape_cast %swap3A_58 : vector<1x16xf32> to vector<16xf32>
        %swap3A_60 = vector.shape_cast %broadcast_in_dim3A_54 : vector<16xf32> to vector<1x16xf32>
        tpu.vector_store %arg8[%swap3A, %swap3A_57], %swap3A_60 {strides = array<i32>} : memref<128x128xf32, #tpu.memory_space<vmem>>, vector<1x16xf32>,
        %scan3A_61 = arith.constant 0 : i32
        scf.yield %scan3A_61 : i32
      }
      %scan3A_51 = arith.constant 8 : i32
      scf.yield %scan3A_50 : i32
    }
    %scan3A_6 = arith.constant 128 : i32
    %mul3A_7 = arith.constant 640 : i32
    %mul3A_8 = arith.muli %arg1, %mul3A_7 : i32
    %add3A_9 = arith.constant 0 : i32
    %add3A_10 = arith.addi %mul3A_8, %add3A_9 : i32
    "tpu.region"() ({
      %run_scoped3A = tpu.sem_alloc : memref<!tpu.dma_semaphore, #tpu.memory_space<semaphore_mem>>
      %dma_start3A = arith.constant 0 : i32
      %dma_start3A_43 = tpu.memref_slice %arg9[%add3A_10, %dma_start3A] : memref<10240x128xf32, #tpu.memory_space<vmem_shared>> -> memref<128x128xf32, #tpu.memory_space<vmem_shared>>
      %dma_start3A_44 = arith.constant 0 : i32
      %dma_start3A_45 = tpu.memref_slice %arg9[%add3A_10, %dma_start3A_44] : memref<10240x128xf32, #tpu.memory_space<vmem_shared>> -> memref<128x128xf32, #tpu.memory_space<vmem_shared>>
      tpu.enqueue_dma source(%arg8 : memref<128x128xf32, #tpu.memory_space<vmem>>) target(%dma_start3A_45 : memref<128x128xf32, #tpu.memory_space<vmem_shared>>) target_semaphore(%run_scoped3A : memref<!tpu.dma_semaphore, #tpu.memory_space<semaphore_mem>>)
      %dma_wait3A = arith.constant 0 : i32
      %dma_wait3A_46 = tpu.memref_slice %arg9[%add3A_10, %dma_wait3A] : memref<10240x128xf32, #tpu.memory_space<vmem_shared>> -> memref<128x128xf32, #tpu.memory_space<vmem_shared>>
      %dma_wait3A_47 = arith.constant 0 : i32
      %dma_wait3A_48 = tpu.memref_slice %arg9[%add3A_10, %dma_wait3A_47] : memref<10240x128xf32, #tpu.memory_space<vmem_shared>> -> memref<128x128xf32, #tpu.memory_space<vmem_shared>>
      tpu.wait_dma2 semaphore(%run_scoped3A : memref<!tpu.dma_semaphore, #tpu.memory_space<semaphore_mem>>) src(%arg8 : memref<128x128xf32, #tpu.memory_space<vmem>>) dst(%dma_wait3A_48 : memref<128x128xf32, #tpu.memory_space<vmem_shared>>)
      tpu.yield
    }) : () -> ()
    %mul3A_11 = arith.constant 640 : i32
    %mul3A_12 = arith.muli %arg1, %mul3A_11 : i32
    %add3A_13 = arith.constant 128 : i32
    %add3A_14 = arith.addi %mul3A_12, %add3A_13 : i32
    "tpu.region"() ({
      %run_scoped3A = tpu.sem_alloc : memref<!tpu.dma_semaphore, #tpu.memory_space<semaphore_mem>>
      %dma_start3A = arith.constant 0 : i32
      %dma_start3A_43 = tpu.memref_slice %arg9[%add3A_14, %dma_start3A] : memref<10240x128xf32, #tpu.memory_space<vmem_shared>> -> memref<128x128xf32, #tpu.memory_space<vmem_shared>>
      %dma_start3A_44 = arith.constant 0 : i32
      %dma_start3A_45 = tpu.memref_slice %arg9[%add3A_14, %dma_start3A_44] : memref<10240x128xf32, #tpu.memory_space<vmem_shared>> -> memref<128x128xf32, #tpu.memory_space<vmem_shared>>
      tpu.enqueue_dma source(%arg8 : memref<128x128xf32, #tpu.memory_space<vmem>>) target(%dma_start3A_45 : memref<128x128xf32, #tpu.memory_space<vmem_shared>>) target_semaphore(%run_scoped3A : memref<!tpu.dma_semaphore, #tpu.memory_space<semaphore_mem>>)
      %dma_wait3A = arith.constant 0 : i32
      %dma_wait3A_46 = tpu.memref_slice %arg9[%add3A_14, %dma_wait3A] : memref<10240x128xf32, #tpu.memory_space<vmem_shared>> -> memref<128x128xf32, #tpu.memory_space<vmem_shared>>
      %dma_wait3A_47 = arith.constant 0 : i32
      %dma_wait3A_48 = tpu.memref_slice %arg9[%add3A_14, %dma_wait3A_47] : memref<10240x128xf32, #tpu.memory_space<vmem_shared>> -> memref<128x128xf32, #tpu.memory_space<vmem_shared>>
      tpu.wait_dma2 semaphore(%run_scoped3A : memref<!tpu.dma_semaphore, #tpu.memory_space<semaphore_mem>>) src(%arg8 : memref<128x128xf32, #tpu.memory_space<vmem>>) dst(%dma_wait3A_48 : memref<128x128xf32, #tpu.memory_space<vmem_shared>>)
      tpu.yield
    }) : () -> ()
    %mul3A_15 = arith.constant 640 : i32
    %mul3A_16 = arith.muli %arg1, %mul3A_15 : i32
    %add3A_17 = arith.constant 256 : i32
    %add3A_18 = arith.addi %mul3A_16, %add3A_17 : i32
    "tpu.region"() ({
      %run_scoped3A = tpu.sem_alloc : memref<!tpu.dma_semaphore, #tpu.memory_space<semaphore_mem>>
      %dma_start3A = arith.constant 0 : i32
      %dma_start3A_43 = tpu.memref_slice %arg9[%add3A_18, %dma_start3A] : memref<10240x128xf32, #tpu.memory_space<vmem_shared>> -> memref<128x128xf32, #tpu.memory_space<vmem_shared>>
      %dma_start3A_44 = arith.constant 0 : i32
      %dma_start3A_45 = tpu.memref_slice %arg9[%add3A_18, %dma_start3A_44] : memref<10240x128xf32, #tpu.memory_space<vmem_shared>> -> memref<128x128xf32, #tpu.memory_space<vmem_shared>>
      tpu.enqueue_dma source(%arg8 : memref<128x128xf32, #tpu.memory_space<vmem>>) target(%dma_start3A_45 : memref<128x128xf32, #tpu.memory_space<vmem_shared>>) target_semaphore(%run_scoped3A : memref<!tpu.dma_semaphore, #tpu.memory_space<semaphore_mem>>)
      %dma_wait3A = arith.constant 0 : i32
      %dma_wait3A_46 = tpu.memref_slice %arg9[%add3A_18, %dma_wait3A] : memref<10240x128xf32, #tpu.memory_space<vmem_shared>> -> memref<128x128xf32, #tpu.memory_space<vmem_shared>>
      %dma_wait3A_47 = arith.constant 0 : i32
      %dma_wait3A_48 = tpu.memref_slice %arg9[%add3A_18, %dma_wait3A_47] : memref<10240x128xf32, #tpu.memory_space<vmem_shared>> -> memref<128x128xf32, #tpu.memory_space<vmem_shared>>
      tpu.wait_dma2 semaphore(%run_scoped3A : memref<!tpu.dma_semaphore, #tpu.memory_space<semaphore_mem>>) src(%arg8 : memref<128x128xf32, #tpu.memory_space<vmem>>) dst(%dma_wait3A_48 : memref<128x128xf32, #tpu.memory_space<vmem_shared>>)
      tpu.yield
    }) : () -> ()
    %mul3A_19 = arith.constant 640 : i32
    %mul3A_20 = arith.muli %arg1, %mul3A_19 : i32
    %add3A_21 = arith.constant 384 : i32
    %add3A_22 = arith.addi %mul3A_20, %add3A_21 : i32
    "tpu.region"() ({
      %run_scoped3A = tpu.sem_alloc : memref<!tpu.dma_semaphore, #tpu.memory_space<semaphore_mem>>
      %dma_start3A = arith.constant 0 : i32
      %dma_start3A_43 = tpu.memref_slice %arg9[%add3A_22, %dma_start3A] : memref<10240x128xf32, #tpu.memory_space<vmem_shared>> -> memref<128x128xf32, #tpu.memory_space<vmem_shared>>
      %dma_start3A_44 = arith.constant 0 : i32
      %dma_start3A_45 = tpu.memref_slice %arg9[%add3A_22, %dma_start3A_44] : memref<10240x128xf32, #tpu.memory_space<vmem_shared>> -> memref<128x128xf32, #tpu.memory_space<vmem_shared>>
      tpu.enqueue_dma source(%arg8 : memref<128x128xf32, #tpu.memory_space<vmem>>) target(%dma_start3A_45 : memref<128x128xf32, #tpu.memory_space<vmem_shared>>) target_semaphore(%run_scoped3A : memref<!tpu.dma_semaphore, #tpu.memory_space<semaphore_mem>>)
      %dma_wait3A = arith.constant 0 : i32
      %dma_wait3A_46 = tpu.memref_slice %arg9[%add3A_22, %dma_wait3A] : memref<10240x128xf32, #tpu.memory_space<vmem_shared>> -> memref<128x128xf32, #tpu.memory_space<vmem_shared>>
      %dma_wait3A_47 = arith.constant 0 : i32
      %dma_wait3A_48 = tpu.memref_slice %arg9[%add3A_22, %dma_wait3A_47] : memref<10240x128xf32, #tpu.memory_space<vmem_shared>> -> memref<128x128xf32, #tpu.memory_space<vmem_shared>>
      tpu.wait_dma2 semaphore(%run_scoped3A : memref<!tpu.dma_semaphore, #tpu.memory_space<semaphore_mem>>) src(%arg8 : memref<128x128xf32, #tpu.memory_space<vmem>>) dst(%dma_wait3A_48 : memref<128x128xf32, #tpu.memory_space<vmem_shared>>)
      tpu.yield
    }) : () -> ()
    %mul3A_23 = arith.constant 640 : i32
    %mul3A_24 = arith.muli %arg1, %mul3A_23 : i32
    %add3A_25 = arith.constant 512 : i32
    %add3A_26 = arith.addi %mul3A_24, %add3A_25 : i32
    "tpu.region"() ({
      %run_scoped3A = tpu.sem_alloc : memref<!tpu.dma_semaphore, #tpu.memory_space<semaphore_mem>>
      %dma_start3A = arith.constant 0 : i32
      %dma_start3A_43 = tpu.memref_slice %arg9[%add3A_26, %dma_start3A] : memref<10240x128xf32, #tpu.memory_space<vmem_shared>> -> memref<128x128xf32, #tpu.memory_space<vmem_shared>>
      %dma_start3A_44 = arith.constant 0 : i32
      %dma_start3A_45 = tpu.memref_slice %arg9[%add3A_26, %dma_start3A_44] : memref<10240x128xf32, #tpu.memory_space<vmem_shared>> -> memref<128x128xf32, #tpu.memory_space<vmem_shared>>
      tpu.enqueue_dma source(%arg8 : memref<128x128xf32, #tpu.memory_space<vmem>>) target(%dma_start3A_45 : memref<128x128xf32, #tpu.memory_space<vmem_shared>>) target_semaphore(%run_scoped3A : memref<!tpu.dma_semaphore, #tpu.memory_space<semaphore_mem>>)
      %dma_wait3A = arith.constant 0 : i32
      %dma_wait3A_46 = tpu.memref_slice %arg9[%add3A_26, %dma_wait3A] : memref<10240x128xf32, #tpu.memory_space<vmem_shared>> -> memref<128x128xf32, #tpu.memory_space<vmem_shared>>
      %dma_wait3A_47 = arith.constant 0 : i32
      %dma_wait3A_48 = tpu.memref_slice %arg9[%add3A_26, %dma_wait3A_47] : memref<10240x128xf32, #tpu.memory_space<vmem_shared>> -> memref<128x128xf32, #tpu.memory_space<vmem_shared>>
      tpu.wait_dma2 semaphore(%run_scoped3A : memref<!tpu.dma_semaphore, #tpu.memory_space<semaphore_mem>>) src(%arg8 : memref<128x128xf32, #tpu.memory_space<vmem>>) dst(%dma_wait3A_48 : memref<128x128xf32, #tpu.memory_space<vmem_shared>>)
      tpu.yield
    }) : () -> ()
    %barrier3A = arith.constant 0 : index
    tpu.barrier barrier_id(%barrier3A)
    %mul3A_27 = arith.constant 79 : i32
    %mul3A_28 = arith.muli %add3A, %mul3A_27 : i32
    %mul3A_29 = arith.constant 128 : i32
    %mul3A_30 = arith.muli %mul3A_28, %mul3A_29 : i32
    %scan3A_31 = arith.constant 0 : i32
    %scan3A_32 = arith.constant 0 : i32
    %scan3A_33 = arith.constant 79 : i32
    %scan3A_34 = arith.addi %scan3A_32, %scan3A_33 : i32
    %scan3A_35 = arith.constant 1 : i32
    %scan3A_36 = scf.for %scan3A_43 = %scan3A_32 to %scan3A_34 step %scan3A_35 iter_args(%scan3A_44 = %scan3A_31) -> (i32)  : i32 {
      %mul3A_45 = arith.constant 128 : i32
      %mul3A_46 = arith.muli %scan3A_43, %mul3A_45 : i32
      %add3A_47 = arith.addi %mul3A_30, %mul3A_46 : i32
      %multiple_of3A = tpu.assume_multiple %add3A_47, 128 : i32
      "tpu.region"() ({
        %run_scoped3A = tpu.sem_alloc : memref<!tpu.dma_semaphore, #tpu.memory_space<semaphore_mem>>
        %dma_start3A_53 = tpu.memref_slice %arg3[%multiple_of3A] : memref<323584xi32, #tpu.memory_space<hbm>> -> memref<128xi32, #tpu.memory_space<hbm>>
        %dma_start3A_54 = tpu.memref_slice %arg3[%multiple_of3A] : memref<323584xi32, #tpu.memory_space<hbm>> -> memref<128xi32, #tpu.memory_space<hbm>>
        tpu.enqueue_dma source(%dma_start3A_54 : memref<128xi32, #tpu.memory_space<hbm>>) target(%arg6 : memref<128xi32, #tpu.memory_space<vmem>>) target_semaphore(%run_scoped3A : memref<!tpu.dma_semaphore, #tpu.memory_space<semaphore_mem>>)
        %dma_wait3A_55 = tpu.memref_slice %arg3[%multiple_of3A] : memref<323584xi32, #tpu.memory_space<hbm>> -> memref<128xi32, #tpu.memory_space<hbm>>
        %dma_wait3A_56 = tpu.memref_slice %arg3[%multiple_of3A] : memref<323584xi32, #tpu.memory_space<hbm>> -> memref<128xi32, #tpu.memory_space<hbm>>
        tpu.wait_dma2 semaphore(%run_scoped3A : memref<!tpu.dma_semaphore, #tpu.memory_space<semaphore_mem>>) src(%dma_wait3A_56 : memref<128xi32, #tpu.memory_space<hbm>>) dst(%arg6 : memref<128xi32, #tpu.memory_space<vmem>>)
        tpu.yield
      }) : () -> ()
      "tpu.region"() ({
        %run_scoped3A = tpu.sem_alloc : memref<!tpu.dma_semaphore, #tpu.memory_space<semaphore_mem>>
        %dma_start3A_53 = tpu.memref_slice %arg4[%multiple_of3A] : memref<323584xi32, #tpu.memory_space<hbm>> -> memref<128xi32, #tpu.memory_space<hbm>>
        %dma_start3A_54 = tpu.memref_slice %arg4[%multiple_of3A] : memref<323584xi32, #tpu.memory_space<hbm>> -> memref<128xi32, #tpu.memory_space<hbm>>
        tpu.enqueue_dma source(%dma_start3A_54 : memref<128xi32, #tpu.memory_space<hbm>>) target(%arg7 : memref<128xi32, #tpu.memory_space<vmem>>) target_semaphore(%run_scoped3A : memref<!tpu.dma_semaphore, #tpu.memory_space<semaphore_mem>>)
        %dma_wait3A_55 = tpu.memref_slice %arg4[%multiple_of3A] : memref<323584xi32, #tpu.memory_space<hbm>> -> memref<128xi32, #tpu.memory_space<hbm>>
        %dma_wait3A_56 = tpu.memref_slice %arg4[%multiple_of3A] : memref<323584xi32, #tpu.memory_space<hbm>> -> memref<128xi32, #tpu.memory_space<hbm>>
        tpu.wait_dma2 semaphore(%run_scoped3A : memref<!tpu.dma_semaphore, #tpu.memory_space<semaphore_mem>>) src(%dma_wait3A_56 : memref<128xi32, #tpu.memory_space<hbm>>) dst(%arg7 : memref<128xi32, #tpu.memory_space<vmem>>)
        tpu.yield
      }) : () -> ()
      %dma_start3A = arith.constant 0 : i32
      %dma_start3A_48 = arith.constant 0 : i32
      %dma_start3A_49 = tpu.memref_slice %arg2[%dma_start3A, %dma_start3A_48] : memref<10240x128xf32, #tpu.memory_space<hbm>> -> memref<10240x128xf32, #tpu.memory_space<hbm>>
      tpu.enqueue_indirect_dma source(%dma_start3A_49 : memref<10240x128xf32, #tpu.memory_space<hbm>>) target(%arg8 : memref<128x128xf32, #tpu.memory_space<vmem>>) offsets(%arg6 : memref<128xi32, #tpu.memory_space<vmem>>) semaphore(%arg10 : memref<!tpu.dma_semaphore, #tpu.memory_space<semaphore_mem>>)
      %dma_wait3A = arith.constant 0 : i32
      %dma_wait3A_50 = arith.constant 0 : i32
      %dma_wait3A_51 = tpu.memref_slice %arg2[%dma_wait3A, %dma_wait3A_50] : memref<10240x128xf32, #tpu.memory_space<hbm>> -> memref<10240x128xf32, #tpu.memory_space<hbm>>
      tpu.wait_indirect_dma semaphore(%arg10 : memref<!tpu.dma_semaphore, #tpu.memory_space<semaphore_mem>>) src(%dma_wait3A_51 : memref<10240x128xf32, #tpu.memory_space<hbm>>) dst(%arg8 : memref<128x128xf32, #tpu.memory_space<vmem>>)
      "tpu.region"() ({
        %run_scoped3A = tpu.sem_alloc : memref<!tpu.dma_semaphore, #tpu.memory_space<semaphore_mem>>
        %dma_start3A_53 = arith.constant 0 : i32
        %dma_start3A_54 = arith.constant 0 : i32
        %dma_start3A_55 = tpu.memref_slice %arg9[%dma_start3A_53, %dma_start3A_54] : memref<10240x128xf32, #tpu.memory_space<vmem_shared>> -> memref<10240x128xf32, #tpu.memory_space<vmem_shared>>
        tpu.enqueue_indirect_dma source(%arg8 : memref<128x128xf32, #tpu.memory_space<vmem>>) target(%dma_start3A_55 : memref<10240x128xf32, #tpu.memory_space<vmem_shared>>) offsets(%arg7 : memref<128xi32, #tpu.memory_space<vmem>>) semaphore(%run_scoped3A : memref<!tpu.dma_semaphore, #tpu.memory_space<semaphore_mem>>) {add = true}
        %dma_wait3A_56 = arith.constant 0 : i32
        %dma_wait3A_57 = arith.constant 0 : i32
        %dma_wait3A_58 = tpu.memref_slice %arg9[%dma_wait3A_56, %dma_wait3A_57] : memref<10240x128xf32, #tpu.memory_space<vmem_shared>> -> memref<10240x128xf32, #tpu.memory_space<vmem_shared>>
        tpu.wait_indirect_dma semaphore(%run_scoped3A : memref<!tpu.dma_semaphore, #tpu.memory_space<semaphore_mem>>) src(%arg8 : memref<128x128xf32, #tpu.memory_space<vmem>>) dst(%dma_wait3A_58 : memref<10240x128xf32, #tpu.memory_space<vmem_shared>>)
        tpu.yield
      }) : () -> ()
      %scan3A_52 = arith.constant 0 : i32
      scf.yield %scan3A_52 : i32
    }
    %scan3A_37 = arith.constant 79 : i32
    %barrier3A_38 = arith.constant 0 : index
    tpu.barrier barrier_id(%barrier3A_38)
    %mul3A_39 = arith.constant 640 : i32
    %mul3A_40 = arith.muli %arg1, %mul3A_39 : i32
    %mul3A_41 = arith.constant 640 : i32
    %mul3A_42 = arith.muli %arg1, %mul3A_41 : i32
    "tpu.region"() ({
      %run_scoped3A = tpu.sem_alloc : memref<!tpu.dma_semaphore, #tpu.memory_space<semaphore_mem>>
      %dma_start3A = arith.constant 0 : i32
      %dma_start3A_43 = tpu.memref_slice %arg5[%arg0, %mul3A_42, %dma_start3A] : memref<2x10240x128xf32, #tpu.memory_space<hbm>> -> memref<1x640x128xf32, #tpu.memory_space<hbm>>
      %dma_start3A_44 = tpu.memref_squeeze %dma_start3A_43 : memref<1x640x128xf32, #tpu.memory_space<hbm>> -> memref<640x128xf32, #tpu.memory_space<hbm>>
      %dma_start3A_45 = arith.constant 0 : i32
      %dma_start3A_46 = tpu.memref_slice %arg9[%mul3A_40, %dma_start3A_45] : memref<10240x128xf32, #tpu.memory_space<vmem_shared>> -> memref<640x128xf32, #tpu.memory_space<vmem_shared>>
      tpu.enqueue_dma source(%dma_start3A_46 : memref<640x128xf32, #tpu.memory_space<vmem_shared>>) target(%dma_start3A_44 : memref<640x128xf32, #tpu.memory_space<hbm>>) target_semaphore(%run_scoped3A : memref<!tpu.dma_semaphore, #tpu.memory_space<semaphore_mem>>)
      %dma_wait3A = arith.constant 0 : i32
      %dma_wait3A_47 = tpu.memref_slice %arg5[%arg0, %mul3A_42, %dma_wait3A] : memref<2x10240x128xf32, #tpu.memory_space<hbm>> -> memref<1x640x128xf32, #tpu.memory_space<hbm>>
      %dma_wait3A_48 = tpu.memref_squeeze %dma_wait3A_47 : memref<1x640x128xf32, #tpu.memory_space<hbm>> -> memref<640x128xf32, #tpu.memory_space<hbm>>
      %dma_wait3A_49 = arith.constant 0 : i32
      %dma_wait3A_50 = tpu.memref_slice %arg9[%mul3A_40, %dma_wait3A_49] : memref<10240x128xf32, #tpu.memory_space<vmem_shared>> -> memref<640x128xf32, #tpu.memory_space<vmem_shared>>
      tpu.wait_dma2 semaphore(%run_scoped3A : memref<!tpu.dma_semaphore, #tpu.memory_space<semaphore_mem>>) src(%dma_wait3A_50 : memref<640x128xf32, #tpu.memory_space<vmem_shared>>) dst(%dma_wait3A_48 : memref<640x128xf32, #tpu.memory_space<hbm>>)
      tpu.yield
    }) : () -> ()
    return
  }
}

#map = affine_map<(d0, d1) -> (0)>
module attributes {stable_mosaic.version = 14 : i64} {
  func.func @hist(%arg0: i32, %arg1: i32, %arg2: memref<323584xi32, #tpu.memory_space<hbm>>, %arg3: memref<20480xf32, #tpu.memory_space<hbm>>, %arg4: memref<128xi32, #tpu.memory_space<vmem>>, %arg5: memref<128xf32, #tpu.memory_space<vmem>>, %arg6: memref<640xf32, #tpu.memory_space<vmem>>, %arg7: memref<10240xf32, #tpu.memory_space<vmem_shared>>) attributes {dimension_semantics = [#tpu.dimension_semantics<core_parallel>, #tpu.dimension_semantics<subcore_parallel>], iteration_bounds = array<i64: 2, 16>, scalar_prefetch = 0 : i64, scratch_operands = 4 : i64, tpu.core_type = #tpu.core_type<sc_vector_subcore>, window_params = [{transform_indices = #map}, {transform_indices = #map}]} {
    %mul3A = arith.constant 2 : i32
    %mul3A_0 = arith.muli %arg1, %mul3A : i32
    %add3A = arith.addi %mul3A_0, %arg0 : i32
    %scan3A = arith.constant 0 : i32
    %scan3A_1 = arith.constant 0 : i32
    %scan3A_2 = arith.constant 8 : i32
    %scan3A_3 = arith.addi %scan3A_1, %scan3A_2 : i32
    %scan3A_4 = arith.constant 1 : i32
    %scan3A_5 = scf.for %scan3A_35 = %scan3A_1 to %scan3A_3 step %scan3A_4 iter_args(%scan3A_36 = %scan3A) -> (i32)  : i32 {
      %broadcast_in_dim3A = arith.constant 1.000000e+00 : f32
      %broadcast_in_dim3A_37 = vector.broadcast %broadcast_in_dim3A : f32 to vector<16xf32>
      %mul3A_38 = arith.constant 16 : i32
      %mul3A_39 = arith.muli %scan3A_35, %mul3A_38 : i32
      %swap3A = arith.index_cast %mul3A_39 : i32 to index
      %swap3A_40 = tpu.vector_load %arg5[%swap3A] {strides = array<i32>} : memref<128xf32, #tpu.memory_space<vmem>>, vector<16xf32>,
      %swap3A_41 = vector.shape_cast %swap3A_40 : vector<16xf32> to vector<16xf32>
      %swap3A_42 = vector.shape_cast %broadcast_in_dim3A_37 : vector<16xf32> to vector<16xf32>
      tpu.vector_store %arg5[%swap3A], %swap3A_42 {strides = array<i32>} : memref<128xf32, #tpu.memory_space<vmem>>, vector<16xf32>,
      %scan3A_43 = arith.constant 0 : i32
      scf.yield %scan3A_43 : i32
    }
    %scan3A_6 = arith.constant 8 : i32
    %scan3A_7 = arith.constant 0 : i32
    %scan3A_8 = arith.constant 0 : i32
    %scan3A_9 = arith.constant 40 : i32
    %scan3A_10 = arith.addi %scan3A_8, %scan3A_9 : i32
    %scan3A_11 = arith.constant 1 : i32
    %scan3A_12 = scf.for %scan3A_35 = %scan3A_8 to %scan3A_10 step %scan3A_11 iter_args(%scan3A_36 = %scan3A_7) -> (i32)  : i32 {
      %broadcast_in_dim3A = arith.constant 0.000000e+00 : f32
      %broadcast_in_dim3A_37 = vector.broadcast %broadcast_in_dim3A : f32 to vector<16xf32>
      %mul3A_38 = arith.constant 16 : i32
      %mul3A_39 = arith.muli %scan3A_35, %mul3A_38 : i32
      %swap3A = arith.index_cast %mul3A_39 : i32 to index
      %swap3A_40 = tpu.vector_load %arg6[%swap3A] {strides = array<i32>} : memref<640xf32, #tpu.memory_space<vmem>>, vector<16xf32>,
      %swap3A_41 = vector.shape_cast %swap3A_40 : vector<16xf32> to vector<16xf32>
      %swap3A_42 = vector.shape_cast %broadcast_in_dim3A_37 : vector<16xf32> to vector<16xf32>
      tpu.vector_store %arg6[%swap3A], %swap3A_42 {strides = array<i32>} : memref<640xf32, #tpu.memory_space<vmem>>, vector<16xf32>,
      %scan3A_43 = arith.constant 0 : i32
      scf.yield %scan3A_43 : i32
    }
    %scan3A_13 = arith.constant 40 : i32
    %mul3A_14 = arith.constant 640 : i32
    %mul3A_15 = arith.muli %arg1, %mul3A_14 : i32
    "tpu.region"() ({
      %run_scoped3A = tpu.sem_alloc : memref<!tpu.dma_semaphore, #tpu.memory_space<semaphore_mem>>
      %dma_start3A = tpu.memref_slice %arg7[%mul3A_15] : memref<10240xf32, #tpu.memory_space<vmem_shared>> -> memref<640xf32, #tpu.memory_space<vmem_shared>>
      %dma_start3A_35 = tpu.memref_slice %arg7[%mul3A_15] : memref<10240xf32, #tpu.memory_space<vmem_shared>> -> memref<640xf32, #tpu.memory_space<vmem_shared>>
      tpu.enqueue_dma source(%arg6 : memref<640xf32, #tpu.memory_space<vmem>>) target(%dma_start3A_35 : memref<640xf32, #tpu.memory_space<vmem_shared>>) target_semaphore(%run_scoped3A : memref<!tpu.dma_semaphore, #tpu.memory_space<semaphore_mem>>)
      %dma_wait3A = tpu.memref_slice %arg7[%mul3A_15] : memref<10240xf32, #tpu.memory_space<vmem_shared>> -> memref<640xf32, #tpu.memory_space<vmem_shared>>
      %dma_wait3A_36 = tpu.memref_slice %arg7[%mul3A_15] : memref<10240xf32, #tpu.memory_space<vmem_shared>> -> memref<640xf32, #tpu.memory_space<vmem_shared>>
      tpu.wait_dma2 semaphore(%run_scoped3A : memref<!tpu.dma_semaphore, #tpu.memory_space<semaphore_mem>>) src(%arg6 : memref<640xf32, #tpu.memory_space<vmem>>) dst(%dma_wait3A_36 : memref<640xf32, #tpu.memory_space<vmem_shared>>)
      tpu.yield
    }) : () -> ()
    %barrier3A = arith.constant 0 : index
    tpu.barrier barrier_id(%barrier3A)
    %mul3A_16 = arith.constant 79 : i32
    %mul3A_17 = arith.muli %add3A, %mul3A_16 : i32
    %mul3A_18 = arith.constant 128 : i32
    %mul3A_19 = arith.muli %mul3A_17, %mul3A_18 : i32
    %scan3A_20 = arith.constant 0 : i32
    %scan3A_21 = arith.constant 0 : i32
    %scan3A_22 = arith.constant 79 : i32
    %scan3A_23 = arith.addi %scan3A_21, %scan3A_22 : i32
    %scan3A_24 = arith.constant 1 : i32
    %scan3A_25 = scf.for %scan3A_35 = %scan3A_21 to %scan3A_23 step %scan3A_24 iter_args(%scan3A_36 = %scan3A_20) -> (i32)  : i32 {
      %mul3A_37 = arith.constant 128 : i32
      %mul3A_38 = arith.muli %scan3A_35, %mul3A_37 : i32
      %add3A_39 = arith.addi %mul3A_19, %mul3A_38 : i32
      %multiple_of3A = tpu.assume_multiple %add3A_39, 128 : i32
      "tpu.region"() ({
        %run_scoped3A = tpu.sem_alloc : memref<!tpu.dma_semaphore, #tpu.memory_space<semaphore_mem>>
        %dma_start3A = tpu.memref_slice %arg2[%multiple_of3A] : memref<323584xi32, #tpu.memory_space<hbm>> -> memref<128xi32, #tpu.memory_space<hbm>>
        %dma_start3A_41 = tpu.memref_slice %arg2[%multiple_of3A] : memref<323584xi32, #tpu.memory_space<hbm>> -> memref<128xi32, #tpu.memory_space<hbm>>
        tpu.enqueue_dma source(%dma_start3A_41 : memref<128xi32, #tpu.memory_space<hbm>>) target(%arg4 : memref<128xi32, #tpu.memory_space<vmem>>) target_semaphore(%run_scoped3A : memref<!tpu.dma_semaphore, #tpu.memory_space<semaphore_mem>>)
        %dma_wait3A = tpu.memref_slice %arg2[%multiple_of3A] : memref<323584xi32, #tpu.memory_space<hbm>> -> memref<128xi32, #tpu.memory_space<hbm>>
        %dma_wait3A_42 = tpu.memref_slice %arg2[%multiple_of3A] : memref<323584xi32, #tpu.memory_space<hbm>> -> memref<128xi32, #tpu.memory_space<hbm>>
        tpu.wait_dma2 semaphore(%run_scoped3A : memref<!tpu.dma_semaphore, #tpu.memory_space<semaphore_mem>>) src(%dma_wait3A_42 : memref<128xi32, #tpu.memory_space<hbm>>) dst(%arg4 : memref<128xi32, #tpu.memory_space<vmem>>)
        tpu.yield
      }) : () -> ()
      "tpu.region"() ({
        %run_scoped3A = tpu.sem_alloc : memref<!tpu.dma_semaphore, #tpu.memory_space<semaphore_mem>>
        %dma_start3A = arith.constant 0 : i32
        %dma_start3A_41 = tpu.memref_slice %arg7[%dma_start3A] : memref<10240xf32, #tpu.memory_space<vmem_shared>> -> memref<10240xf32, #tpu.memory_space<vmem_shared>>
        tpu.enqueue_indirect_dma source(%arg5 : memref<128xf32, #tpu.memory_space<vmem>>) target(%dma_start3A_41 : memref<10240xf32, #tpu.memory_space<vmem_shared>>) offsets(%arg4 : memref<128xi32, #tpu.memory_space<vmem>>) semaphore(%run_scoped3A : memref<!tpu.dma_semaphore, #tpu.memory_space<semaphore_mem>>) {add = true}
        %dma_wait3A = arith.constant 0 : i32
        %dma_wait3A_42 = tpu.memref_slice %arg7[%dma_wait3A] : memref<10240xf32, #tpu.memory_space<vmem_shared>> -> memref<10240xf32, #tpu.memory_space<vmem_shared>>
        tpu.wait_indirect_dma semaphore(%run_scoped3A : memref<!tpu.dma_semaphore, #tpu.memory_space<semaphore_mem>>) src(%arg5 : memref<128xf32, #tpu.memory_space<vmem>>) dst(%dma_wait3A_42 : memref<10240xf32, #tpu.memory_space<vmem_shared>>)
        tpu.yield
      }) : () -> ()
      %scan3A_40 = arith.constant 0 : i32
      scf.yield %scan3A_40 : i32
    }
    %scan3A_26 = arith.constant 79 : i32
    %barrier3A_27 = arith.constant 0 : index
    tpu.barrier barrier_id(%barrier3A_27)
    %mul3A_28 = arith.constant 640 : i32
    %mul3A_29 = arith.muli %arg1, %mul3A_28 : i32
    "tpu.region"() ({
      %run_scoped3A = tpu.sem_alloc : memref<!tpu.dma_semaphore, #tpu.memory_space<semaphore_mem>>
      %dma_start3A = tpu.memref_slice %arg7[%mul3A_29] : memref<10240xf32, #tpu.memory_space<vmem_shared>> -> memref<640xf32, #tpu.memory_space<vmem_shared>>
      %dma_start3A_35 = tpu.memref_slice %arg7[%mul3A_29] : memref<10240xf32, #tpu.memory_space<vmem_shared>> -> memref<640xf32, #tpu.memory_space<vmem_shared>>
      tpu.enqueue_dma source(%dma_start3A_35 : memref<640xf32, #tpu.memory_space<vmem_shared>>) target(%arg6 : memref<640xf32, #tpu.memory_space<vmem>>) target_semaphore(%run_scoped3A : memref<!tpu.dma_semaphore, #tpu.memory_space<semaphore_mem>>)
      %dma_wait3A = tpu.memref_slice %arg7[%mul3A_29] : memref<10240xf32, #tpu.memory_space<vmem_shared>> -> memref<640xf32, #tpu.memory_space<vmem_shared>>
      %dma_wait3A_36 = tpu.memref_slice %arg7[%mul3A_29] : memref<10240xf32, #tpu.memory_space<vmem_shared>> -> memref<640xf32, #tpu.memory_space<vmem_shared>>
      tpu.wait_dma2 semaphore(%run_scoped3A : memref<!tpu.dma_semaphore, #tpu.memory_space<semaphore_mem>>) src(%dma_wait3A_36 : memref<640xf32, #tpu.memory_space<vmem_shared>>) dst(%arg6 : memref<640xf32, #tpu.memory_space<vmem>>)
      tpu.yield
    }) : () -> ()
    %mul3A_30 = arith.constant 10240 : i32
    %mul3A_31 = arith.muli %arg0, %mul3A_30 : i32
    %mul3A_32 = arith.constant 640 : i32
    %mul3A_33 = arith.muli %arg1, %mul3A_32 : i32
    %add3A_34 = arith.addi %mul3A_31, %mul3A_33 : i32
    "tpu.region"() ({
      %run_scoped3A = tpu.sem_alloc : memref<!tpu.dma_semaphore, #tpu.memory_space<semaphore_mem>>
      %dma_start3A = tpu.memref_slice %arg3[%add3A_34] : memref<20480xf32, #tpu.memory_space<hbm>> -> memref<640xf32, #tpu.memory_space<hbm>>
      %dma_start3A_35 = tpu.memref_slice %arg3[%add3A_34] : memref<20480xf32, #tpu.memory_space<hbm>> -> memref<640xf32, #tpu.memory_space<hbm>>
      tpu.enqueue_dma source(%arg6 : memref<640xf32, #tpu.memory_space<vmem>>) target(%dma_start3A_35 : memref<640xf32, #tpu.memory_space<hbm>>) target_semaphore(%run_scoped3A : memref<!tpu.dma_semaphore, #tpu.memory_space<semaphore_mem>>)
      %dma_wait3A = tpu.memref_slice %arg3[%add3A_34] : memref<20480xf32, #tpu.memory_space<hbm>> -> memref<640xf32, #tpu.memory_space<hbm>>
      %dma_wait3A_36 = tpu.memref_slice %arg3[%add3A_34] : memref<20480xf32, #tpu.memory_space<hbm>> -> memref<640xf32, #tpu.memory_space<hbm>>
      tpu.wait_dma2 semaphore(%run_scoped3A : memref<!tpu.dma_semaphore, #tpu.memory_space<semaphore_mem>>) src(%arg6 : memref<640xf32, #tpu.memory_space<vmem>>) dst(%dma_wait3A_36 : memref<640xf32, #tpu.memory_space<hbm>>)
      tpu.yield
    }) : () -> ()
    return
  }
}

#map = affine_map<(d0, d1) -> (0, 0)>
#map1 = affine_map<(d0, d1) -> (0)>
#map2 = affine_map<(d0, d1) -> (0, 0, 0)>
module attributes {stable_mosaic.version = 14 : i64} {
  func.func @agg(%arg0: i32, %arg1: i32, %arg2: memref<10240x128xf32, #tpu.memory_space<hbm>>, %arg3: memref<323584xi32, #tpu.memory_space<hbm>>, %arg4: memref<323584xi32, #tpu.memory_space<hbm>>, %arg5: memref<2x10240x128xf32, #tpu.memory_space<hbm>>, %arg6: memref<128xi32, #tpu.memory_space<vmem>>, %arg7: memref<128xi32, #tpu.memory_space<vmem>>, %arg8: memref<128x128xf32, #tpu.memory_space<vmem>>, %arg9: memref<10240x128xf32, #tpu.memory_space<vmem_shared>>, %arg10: memref<!tpu.dma_semaphore, #tpu.memory_space<semaphore_mem>>) attributes {dimension_semantics = [#tpu.dimension_semantics<core_parallel>, #tpu.dimension_semantics<subcore_parallel>], iteration_bounds = array<i64: 2, 16>, scalar_prefetch = 0 : i64, scratch_operands = 5 : i64, tpu.core_type = #tpu.core_type<sc_vector_subcore>, window_params = [{transform_indices = #map}, {transform_indices = #map1}, {transform_indices = #map1}, {transform_indices = #map2}]} {
    %mul3A = arith.constant 2 : i32
    %mul3A_0 = arith.muli %arg1, %mul3A : i32
    %add3A = arith.addi %mul3A_0, %arg0 : i32
    %scan3A = arith.constant 0 : i32
    %scan3A_1 = arith.constant 0 : i32
    %scan3A_2 = arith.constant 128 : i32
    %scan3A_3 = arith.addi %scan3A_1, %scan3A_2 : i32
    %scan3A_4 = arith.constant 1 : i32
    %scan3A_5 = scf.for %scan3A_43 = %scan3A_1 to %scan3A_3 step %scan3A_4 iter_args(%scan3A_44 = %scan3A) -> (i32)  : i32 {
      %scan3A_45 = arith.constant 0 : i32
      %scan3A_46 = arith.constant 0 : i32
      %scan3A_47 = arith.constant 8 : i32
      %scan3A_48 = arith.addi %scan3A_46, %scan3A_47 : i32
      %scan3A_49 = arith.constant 1 : i32
      %scan3A_50 = scf.for %scan3A_52 = %scan3A_46 to %scan3A_48 step %scan3A_49 iter_args(%scan3A_53 = %scan3A_45) -> (i32)  : i32 {
        %broadcast_in_dim3A = arith.constant 0.000000e+00 : f32
        %broadcast_in_dim3A_54 = vector.broadcast %broadcast_in_dim3A : f32 to vector<16xf32>
        %mul3A_55 = arith.constant 16 : i32
        %mul3A_56 = arith.muli %scan3A_52, %mul3A_55 : i32
        %swap3A = arith.index_cast %scan3A_43 : i32 to index
        %swap3A_57 = arith.index_cast %mul3A_56 : i32 to index
        %swap3A_58 = tpu.vector_load %arg8[%swap3A, %swap3A_57] {strides = array<i32>} : memref<128x128xf32, #tpu.memory_space<vmem>>, vector<1x16xf32>,
        %swap3A_59 = vector.shape_cast %swap3A_58 : vector<1x16xf32> to vector<16xf32>
        %swap3A_60 = vector.shape_cast %broadcast_in_dim3A_54 : vector<16xf32> to vector<1x16xf32>
        tpu.vector_store %arg8[%swap3A, %swap3A_57], %swap3A_60 {strides = array<i32>} : memref<128x128xf32, #tpu.memory_space<vmem>>, vector<1x16xf32>,
        %scan3A_61 = arith.constant 0 : i32
        scf.yield %scan3A_61 : i32
      }
      %scan3A_51 = arith.constant 8 : i32
      scf.yield %scan3A_50 : i32
    }
    %scan3A_6 = arith.constant 128 : i32
    %mul3A_7 = arith.constant 640 : i32
    %mul3A_8 = arith.muli %arg1, %mul3A_7 : i32
    %add3A_9 = arith.constant 0 : i32
    %add3A_10 = arith.addi %mul3A_8, %add3A_9 : i32
    "tpu.region"() ({
      %run_scoped3A = tpu.sem_alloc : memref<!tpu.dma_semaphore, #tpu.memory_space<semaphore_mem>>
      %dma_start3A = arith.constant 0 : i32
      %dma_start3A_43 = tpu.memref_slice %arg9[%add3A_10, %dma_start3A] : memref<10240x128xf32, #tpu.memory_space<vmem_shared>> -> memref<128x128xf32, #tpu.memory_space<vmem_shared>>
      %dma_start3A_44 = arith.constant 0 : i32
      %dma_start3A_45 = tpu.memref_slice %arg9[%add3A_10, %dma_start3A_44] : memref<10240x128xf32, #tpu.memory_space<vmem_shared>> -> memref<128x128xf32, #tpu.memory_space<vmem_shared>>
      tpu.enqueue_dma source(%arg8 : memref<128x128xf32, #tpu.memory_space<vmem>>) target(%dma_start3A_45 : memref<128x128xf32, #tpu.memory_space<vmem_shared>>) target_semaphore(%run_scoped3A : memref<!tpu.dma_semaphore, #tpu.memory_space<semaphore_mem>>)
      %dma_wait3A = arith.constant 0 : i32
      %dma_wait3A_46 = tpu.memref_slice %arg9[%add3A_10, %dma_wait3A] : memref<10240x128xf32, #tpu.memory_space<vmem_shared>> -> memref<128x128xf32, #tpu.memory_space<vmem_shared>>
      %dma_wait3A_47 = arith.constant 0 : i32
      %dma_wait3A_48 = tpu.memref_slice %arg9[%add3A_10, %dma_wait3A_47] : memref<10240x128xf32, #tpu.memory_space<vmem_shared>> -> memref<128x128xf32, #tpu.memory_space<vmem_shared>>
      tpu.wait_dma2 semaphore(%run_scoped3A : memref<!tpu.dma_semaphore, #tpu.memory_space<semaphore_mem>>) src(%arg8 : memref<128x128xf32, #tpu.memory_space<vmem>>) dst(%dma_wait3A_48 : memref<128x128xf32, #tpu.memory_space<vmem_shared>>)
      tpu.yield
    }) : () -> ()
    %mul3A_11 = arith.constant 640 : i32
    %mul3A_12 = arith.muli %arg1, %mul3A_11 : i32
    %add3A_13 = arith.constant 128 : i32
    %add3A_14 = arith.addi %mul3A_12, %add3A_13 : i32
    "tpu.region"() ({
      %run_scoped3A = tpu.sem_alloc : memref<!tpu.dma_semaphore, #tpu.memory_space<semaphore_mem>>
      %dma_start3A = arith.constant 0 : i32
      %dma_start3A_43 = tpu.memref_slice %arg9[%add3A_14, %dma_start3A] : memref<10240x128xf32, #tpu.memory_space<vmem_shared>> -> memref<128x128xf32, #tpu.memory_space<vmem_shared>>
      %dma_start3A_44 = arith.constant 0 : i32
      %dma_start3A_45 = tpu.memref_slice %arg9[%add3A_14, %dma_start3A_44] : memref<10240x128xf32, #tpu.memory_space<vmem_shared>> -> memref<128x128xf32, #tpu.memory_space<vmem_shared>>
      tpu.enqueue_dma source(%arg8 : memref<128x128xf32, #tpu.memory_space<vmem>>) target(%dma_start3A_45 : memref<128x128xf32, #tpu.memory_space<vmem_shared>>) target_semaphore(%run_scoped3A : memref<!tpu.dma_semaphore, #tpu.memory_space<semaphore_mem>>)
      %dma_wait3A = arith.constant 0 : i32
      %dma_wait3A_46 = tpu.memref_slice %arg9[%add3A_14, %dma_wait3A] : memref<10240x128xf32, #tpu.memory_space<vmem_shared>> -> memref<128x128xf32, #tpu.memory_space<vmem_shared>>
      %dma_wait3A_47 = arith.constant 0 : i32
      %dma_wait3A_48 = tpu.memref_slice %arg9[%add3A_14, %dma_wait3A_47] : memref<10240x128xf32, #tpu.memory_space<vmem_shared>> -> memref<128x128xf32, #tpu.memory_space<vmem_shared>>
      tpu.wait_dma2 semaphore(%run_scoped3A : memref<!tpu.dma_semaphore, #tpu.memory_space<semaphore_mem>>) src(%arg8 : memref<128x128xf32, #tpu.memory_space<vmem>>) dst(%dma_wait3A_48 : memref<128x128xf32, #tpu.memory_space<vmem_shared>>)
      tpu.yield
    }) : () -> ()
    %mul3A_15 = arith.constant 640 : i32
    %mul3A_16 = arith.muli %arg1, %mul3A_15 : i32
    %add3A_17 = arith.constant 256 : i32
    %add3A_18 = arith.addi %mul3A_16, %add3A_17 : i32
    "tpu.region"() ({
      %run_scoped3A = tpu.sem_alloc : memref<!tpu.dma_semaphore, #tpu.memory_space<semaphore_mem>>
      %dma_start3A = arith.constant 0 : i32
      %dma_start3A_43 = tpu.memref_slice %arg9[%add3A_18, %dma_start3A] : memref<10240x128xf32, #tpu.memory_space<vmem_shared>> -> memref<128x128xf32, #tpu.memory_space<vmem_shared>>
      %dma_start3A_44 = arith.constant 0 : i32
      %dma_start3A_45 = tpu.memref_slice %arg9[%add3A_18, %dma_start3A_44] : memref<10240x128xf32, #tpu.memory_space<vmem_shared>> -> memref<128x128xf32, #tpu.memory_space<vmem_shared>>
      tpu.enqueue_dma source(%arg8 : memref<128x128xf32, #tpu.memory_space<vmem>>) target(%dma_start3A_45 : memref<128x128xf32, #tpu.memory_space<vmem_shared>>) target_semaphore(%run_scoped3A : memref<!tpu.dma_semaphore, #tpu.memory_space<semaphore_mem>>)
      %dma_wait3A = arith.constant 0 : i32
      %dma_wait3A_46 = tpu.memref_slice %arg9[%add3A_18, %dma_wait3A] : memref<10240x128xf32, #tpu.memory_space<vmem_shared>> -> memref<128x128xf32, #tpu.memory_space<vmem_shared>>
      %dma_wait3A_47 = arith.constant 0 : i32
      %dma_wait3A_48 = tpu.memref_slice %arg9[%add3A_18, %dma_wait3A_47] : memref<10240x128xf32, #tpu.memory_space<vmem_shared>> -> memref<128x128xf32, #tpu.memory_space<vmem_shared>>
      tpu.wait_dma2 semaphore(%run_scoped3A : memref<!tpu.dma_semaphore, #tpu.memory_space<semaphore_mem>>) src(%arg8 : memref<128x128xf32, #tpu.memory_space<vmem>>) dst(%dma_wait3A_48 : memref<128x128xf32, #tpu.memory_space<vmem_shared>>)
      tpu.yield
    }) : () -> ()
    %mul3A_19 = arith.constant 640 : i32
    %mul3A_20 = arith.muli %arg1, %mul3A_19 : i32
    %add3A_21 = arith.constant 384 : i32
    %add3A_22 = arith.addi %mul3A_20, %add3A_21 : i32
    "tpu.region"() ({
      %run_scoped3A = tpu.sem_alloc : memref<!tpu.dma_semaphore, #tpu.memory_space<semaphore_mem>>
      %dma_start3A = arith.constant 0 : i32
      %dma_start3A_43 = tpu.memref_slice %arg9[%add3A_22, %dma_start3A] : memref<10240x128xf32, #tpu.memory_space<vmem_shared>> -> memref<128x128xf32, #tpu.memory_space<vmem_shared>>
      %dma_start3A_44 = arith.constant 0 : i32
      %dma_start3A_45 = tpu.memref_slice %arg9[%add3A_22, %dma_start3A_44] : memref<10240x128xf32, #tpu.memory_space<vmem_shared>> -> memref<128x128xf32, #tpu.memory_space<vmem_shared>>
      tpu.enqueue_dma source(%arg8 : memref<128x128xf32, #tpu.memory_space<vmem>>) target(%dma_start3A_45 : memref<128x128xf32, #tpu.memory_space<vmem_shared>>) target_semaphore(%run_scoped3A : memref<!tpu.dma_semaphore, #tpu.memory_space<semaphore_mem>>)
      %dma_wait3A = arith.constant 0 : i32
      %dma_wait3A_46 = tpu.memref_slice %arg9[%add3A_22, %dma_wait3A] : memref<10240x128xf32, #tpu.memory_space<vmem_shared>> -> memref<128x128xf32, #tpu.memory_space<vmem_shared>>
      %dma_wait3A_47 = arith.constant 0 : i32
      %dma_wait3A_48 = tpu.memref_slice %arg9[%add3A_22, %dma_wait3A_47] : memref<10240x128xf32, #tpu.memory_space<vmem_shared>> -> memref<128x128xf32, #tpu.memory_space<vmem_shared>>
      tpu.wait_dma2 semaphore(%run_scoped3A : memref<!tpu.dma_semaphore, #tpu.memory_space<semaphore_mem>>) src(%arg8 : memref<128x128xf32, #tpu.memory_space<vmem>>) dst(%dma_wait3A_48 : memref<128x128xf32, #tpu.memory_space<vmem_shared>>)
      tpu.yield
    }) : () -> ()
    %mul3A_23 = arith.constant 640 : i32
    %mul3A_24 = arith.muli %arg1, %mul3A_23 : i32
    %add3A_25 = arith.constant 512 : i32
    %add3A_26 = arith.addi %mul3A_24, %add3A_25 : i32
    "tpu.region"() ({
      %run_scoped3A = tpu.sem_alloc : memref<!tpu.dma_semaphore, #tpu.memory_space<semaphore_mem>>
      %dma_start3A = arith.constant 0 : i32
      %dma_start3A_43 = tpu.memref_slice %arg9[%add3A_26, %dma_start3A] : memref<10240x128xf32, #tpu.memory_space<vmem_shared>> -> memref<128x128xf32, #tpu.memory_space<vmem_shared>>
      %dma_start3A_44 = arith.constant 0 : i32
      %dma_start3A_45 = tpu.memref_slice %arg9[%add3A_26, %dma_start3A_44] : memref<10240x128xf32, #tpu.memory_space<vmem_shared>> -> memref<128x128xf32, #tpu.memory_space<vmem_shared>>
      tpu.enqueue_dma source(%arg8 : memref<128x128xf32, #tpu.memory_space<vmem>>) target(%dma_start3A_45 : memref<128x128xf32, #tpu.memory_space<vmem_shared>>) target_semaphore(%run_scoped3A : memref<!tpu.dma_semaphore, #tpu.memory_space<semaphore_mem>>)
      %dma_wait3A = arith.constant 0 : i32
      %dma_wait3A_46 = tpu.memref_slice %arg9[%add3A_26, %dma_wait3A] : memref<10240x128xf32, #tpu.memory_space<vmem_shared>> -> memref<128x128xf32, #tpu.memory_space<vmem_shared>>
      %dma_wait3A_47 = arith.constant 0 : i32
      %dma_wait3A_48 = tpu.memref_slice %arg9[%add3A_26, %dma_wait3A_47] : memref<10240x128xf32, #tpu.memory_space<vmem_shared>> -> memref<128x128xf32, #tpu.memory_space<vmem_shared>>
      tpu.wait_dma2 semaphore(%run_scoped3A : memref<!tpu.dma_semaphore, #tpu.memory_space<semaphore_mem>>) src(%arg8 : memref<128x128xf32, #tpu.memory_space<vmem>>) dst(%dma_wait3A_48 : memref<128x128xf32, #tpu.memory_space<vmem_shared>>)
      tpu.yield
    }) : () -> ()
    %barrier3A = arith.constant 0 : index
    tpu.barrier barrier_id(%barrier3A)
    %mul3A_27 = arith.constant 79 : i32
    %mul3A_28 = arith.muli %add3A, %mul3A_27 : i32
    %mul3A_29 = arith.constant 128 : i32
    %mul3A_30 = arith.muli %mul3A_28, %mul3A_29 : i32
    %scan3A_31 = arith.constant 0 : i32
    %scan3A_32 = arith.constant 0 : i32
    %scan3A_33 = arith.constant 79 : i32
    %scan3A_34 = arith.addi %scan3A_32, %scan3A_33 : i32
    %scan3A_35 = arith.constant 1 : i32
    %scan3A_36 = scf.for %scan3A_43 = %scan3A_32 to %scan3A_34 step %scan3A_35 iter_args(%scan3A_44 = %scan3A_31) -> (i32)  : i32 {
      %mul3A_45 = arith.constant 128 : i32
      %mul3A_46 = arith.muli %scan3A_43, %mul3A_45 : i32
      %add3A_47 = arith.addi %mul3A_30, %mul3A_46 : i32
      %multiple_of3A = tpu.assume_multiple %add3A_47, 128 : i32
      "tpu.region"() ({
        %run_scoped3A = tpu.sem_alloc : memref<!tpu.dma_semaphore, #tpu.memory_space<semaphore_mem>>
        %dma_start3A_53 = tpu.memref_slice %arg3[%multiple_of3A] : memref<323584xi32, #tpu.memory_space<hbm>> -> memref<128xi32, #tpu.memory_space<hbm>>
        %dma_start3A_54 = tpu.memref_slice %arg3[%multiple_of3A] : memref<323584xi32, #tpu.memory_space<hbm>> -> memref<128xi32, #tpu.memory_space<hbm>>
        tpu.enqueue_dma source(%dma_start3A_54 : memref<128xi32, #tpu.memory_space<hbm>>) target(%arg6 : memref<128xi32, #tpu.memory_space<vmem>>) target_semaphore(%run_scoped3A : memref<!tpu.dma_semaphore, #tpu.memory_space<semaphore_mem>>)
        %dma_wait3A_55 = tpu.memref_slice %arg3[%multiple_of3A] : memref<323584xi32, #tpu.memory_space<hbm>> -> memref<128xi32, #tpu.memory_space<hbm>>
        %dma_wait3A_56 = tpu.memref_slice %arg3[%multiple_of3A] : memref<323584xi32, #tpu.memory_space<hbm>> -> memref<128xi32, #tpu.memory_space<hbm>>
        tpu.wait_dma2 semaphore(%run_scoped3A : memref<!tpu.dma_semaphore, #tpu.memory_space<semaphore_mem>>) src(%dma_wait3A_56 : memref<128xi32, #tpu.memory_space<hbm>>) dst(%arg6 : memref<128xi32, #tpu.memory_space<vmem>>)
        tpu.yield
      }) : () -> ()
      "tpu.region"() ({
        %run_scoped3A = tpu.sem_alloc : memref<!tpu.dma_semaphore, #tpu.memory_space<semaphore_mem>>
        %dma_start3A_53 = tpu.memref_slice %arg4[%multiple_of3A] : memref<323584xi32, #tpu.memory_space<hbm>> -> memref<128xi32, #tpu.memory_space<hbm>>
        %dma_start3A_54 = tpu.memref_slice %arg4[%multiple_of3A] : memref<323584xi32, #tpu.memory_space<hbm>> -> memref<128xi32, #tpu.memory_space<hbm>>
        tpu.enqueue_dma source(%dma_start3A_54 : memref<128xi32, #tpu.memory_space<hbm>>) target(%arg7 : memref<128xi32, #tpu.memory_space<vmem>>) target_semaphore(%run_scoped3A : memref<!tpu.dma_semaphore, #tpu.memory_space<semaphore_mem>>)
        %dma_wait3A_55 = tpu.memref_slice %arg4[%multiple_of3A] : memref<323584xi32, #tpu.memory_space<hbm>> -> memref<128xi32, #tpu.memory_space<hbm>>
        %dma_wait3A_56 = tpu.memref_slice %arg4[%multiple_of3A] : memref<323584xi32, #tpu.memory_space<hbm>> -> memref<128xi32, #tpu.memory_space<hbm>>
        tpu.wait_dma2 semaphore(%run_scoped3A : memref<!tpu.dma_semaphore, #tpu.memory_space<semaphore_mem>>) src(%dma_wait3A_56 : memref<128xi32, #tpu.memory_space<hbm>>) dst(%arg7 : memref<128xi32, #tpu.memory_space<vmem>>)
        tpu.yield
      }) : () -> ()
      %dma_start3A = arith.constant 0 : i32
      %dma_start3A_48 = arith.constant 0 : i32
      %dma_start3A_49 = tpu.memref_slice %arg2[%dma_start3A, %dma_start3A_48] : memref<10240x128xf32, #tpu.memory_space<hbm>> -> memref<10240x128xf32, #tpu.memory_space<hbm>>
      tpu.enqueue_indirect_dma source(%dma_start3A_49 : memref<10240x128xf32, #tpu.memory_space<hbm>>) target(%arg8 : memref<128x128xf32, #tpu.memory_space<vmem>>) offsets(%arg6 : memref<128xi32, #tpu.memory_space<vmem>>) semaphore(%arg10 : memref<!tpu.dma_semaphore, #tpu.memory_space<semaphore_mem>>)
      %dma_wait3A = arith.constant 0 : i32
      %dma_wait3A_50 = arith.constant 0 : i32
      %dma_wait3A_51 = tpu.memref_slice %arg2[%dma_wait3A, %dma_wait3A_50] : memref<10240x128xf32, #tpu.memory_space<hbm>> -> memref<10240x128xf32, #tpu.memory_space<hbm>>
      tpu.wait_indirect_dma semaphore(%arg10 : memref<!tpu.dma_semaphore, #tpu.memory_space<semaphore_mem>>) src(%dma_wait3A_51 : memref<10240x128xf32, #tpu.memory_space<hbm>>) dst(%arg8 : memref<128x128xf32, #tpu.memory_space<vmem>>)
      "tpu.region"() ({
        %run_scoped3A = tpu.sem_alloc : memref<!tpu.dma_semaphore, #tpu.memory_space<semaphore_mem>>
        %dma_start3A_53 = arith.constant 0 : i32
        %dma_start3A_54 = arith.constant 0 : i32
        %dma_start3A_55 = tpu.memref_slice %arg9[%dma_start3A_53, %dma_start3A_54] : memref<10240x128xf32, #tpu.memory_space<vmem_shared>> -> memref<10240x128xf32, #tpu.memory_space<vmem_shared>>
        tpu.enqueue_indirect_dma source(%arg8 : memref<128x128xf32, #tpu.memory_space<vmem>>) target(%dma_start3A_55 : memref<10240x128xf32, #tpu.memory_space<vmem_shared>>) offsets(%arg7 : memref<128xi32, #tpu.memory_space<vmem>>) semaphore(%run_scoped3A : memref<!tpu.dma_semaphore, #tpu.memory_space<semaphore_mem>>) {add = true}
        %dma_wait3A_56 = arith.constant 0 : i32
        %dma_wait3A_57 = arith.constant 0 : i32
        %dma_wait3A_58 = tpu.memref_slice %arg9[%dma_wait3A_56, %dma_wait3A_57] : memref<10240x128xf32, #tpu.memory_space<vmem_shared>> -> memref<10240x128xf32, #tpu.memory_space<vmem_shared>>
        tpu.wait_indirect_dma semaphore(%run_scoped3A : memref<!tpu.dma_semaphore, #tpu.memory_space<semaphore_mem>>) src(%arg8 : memref<128x128xf32, #tpu.memory_space<vmem>>) dst(%dma_wait3A_58 : memref<10240x128xf32, #tpu.memory_space<vmem_shared>>)
        tpu.yield
      }) : () -> ()
      %scan3A_52 = arith.constant 0 : i32
      scf.yield %scan3A_52 : i32
    }
    %scan3A_37 = arith.constant 79 : i32
    %barrier3A_38 = arith.constant 0 : index
    tpu.barrier barrier_id(%barrier3A_38)
    %mul3A_39 = arith.constant 640 : i32
    %mul3A_40 = arith.muli %arg1, %mul3A_39 : i32
    %mul3A_41 = arith.constant 640 : i32
    %mul3A_42 = arith.muli %arg1, %mul3A_41 : i32
    "tpu.region"() ({
      %run_scoped3A = tpu.sem_alloc : memref<!tpu.dma_semaphore, #tpu.memory_space<semaphore_mem>>
      %dma_start3A = arith.constant 0 : i32
      %dma_start3A_43 = tpu.memref_slice %arg5[%arg0, %mul3A_42, %dma_start3A] : memref<2x10240x128xf32, #tpu.memory_space<hbm>> -> memref<1x640x128xf32, #tpu.memory_space<hbm>>
      %dma_start3A_44 = tpu.memref_squeeze %dma_start3A_43 : memref<1x640x128xf32, #tpu.memory_space<hbm>> -> memref<640x128xf32, #tpu.memory_space<hbm>>
      %dma_start3A_45 = arith.constant 0 : i32
      %dma_start3A_46 = tpu.memref_slice %arg9[%mul3A_40, %dma_start3A_45] : memref<10240x128xf32, #tpu.memory_space<vmem_shared>> -> memref<640x128xf32, #tpu.memory_space<vmem_shared>>
      tpu.enqueue_dma source(%dma_start3A_46 : memref<640x128xf32, #tpu.memory_space<vmem_shared>>) target(%dma_start3A_44 : memref<640x128xf32, #tpu.memory_space<hbm>>) target_semaphore(%run_scoped3A : memref<!tpu.dma_semaphore, #tpu.memory_space<semaphore_mem>>)
      %dma_wait3A = arith.constant 0 : i32
      %dma_wait3A_47 = tpu.memref_slice %arg5[%arg0, %mul3A_42, %dma_wait3A] : memref<2x10240x128xf32, #tpu.memory_space<hbm>> -> memref<1x640x128xf32, #tpu.memory_space<hbm>>
      %dma_wait3A_48 = tpu.memref_squeeze %dma_wait3A_47 : memref<1x640x128xf32, #tpu.memory_space<hbm>> -> memref<640x128xf32, #tpu.memory_space<hbm>>
      %dma_wait3A_49 = arith.constant 0 : i32
      %dma_wait3A_50 = tpu.memref_slice %arg9[%mul3A_40, %dma_wait3A_49] : memref<10240x128xf32, #tpu.memory_space<vmem_shared>> -> memref<640x128xf32, #tpu.memory_space<vmem_shared>>
      tpu.wait_dma2 semaphore(%run_scoped3A : memref<!tpu.dma_semaphore, #tpu.memory_space<semaphore_mem>>) src(%dma_wait3A_50 : memref<640x128xf32, #tpu.memory_space<vmem_shared>>) dst(%dma_wait3A_48 : memref<640x128xf32, #tpu.memory_space<hbm>>)
      tpu.yield
    }) : () -> ()
    return
  }
}

module attributes {stable_mosaic.version = 14 : i64} {
  func.func @_prep_body(%arg0: memref<10240x1xf32, #tpu.memory_space<vmem>>, %arg1: memref<10240x128xf32, #tpu.memory_space<vmem>>, %arg2: memref<128x128xf32, #tpu.memory_space<vmem>>, %arg3: memref<10240x128xf32, #tpu.memory_space<vmem>>, %arg4: memref<10240x128xf32, #tpu.memory_space<vmem>>) attributes {dimension_semantics = [], scalar_prefetch = 0 : i64, scratch_operands = 0 : i64, tpu.core_type = #tpu.core_type<tc>} {
    %get3A = arith.constant 0 : index
    %get3A_0 = arith.constant 0 : index
    %get3A_1 = vector.load %arg0[%get3A, %get3A_0] : memref<10240x1xf32, #tpu.memory_space<vmem>>, vector<10240x1xf32>
    %add3A = arith.constant 1.000000e+00 : f32
    %add3A_2 = vector.broadcast %add3A : f32 to vector<10240x1xf32>
    %add3A_3 = arith.addf %get3A_1, %add3A_2 : vector<10240x1xf32>
    %rsqrt3A = math.rsqrt %add3A_3 : vector<10240x1xf32>
    %get3A_4 = arith.constant 0 : index
    %get3A_5 = arith.constant 0 : index
    %get3A_6 = vector.load %arg1[%get3A_4, %get3A_5] : memref<10240x128xf32, #tpu.memory_space<vmem>>, vector<10240x128xf32>
    %get3A_7 = arith.constant 0 : index
    %get3A_8 = arith.constant 0 : index
    %get3A_9 = vector.load %arg2[%get3A_7, %get3A_8] : memref<128x128xf32, #tpu.memory_space<vmem>>, vector<128x128xf32>
    %dot_general3A = arith.constant dense<0.000000e+00> : vector<10240x128xf32>
    %dot_general3A_10 = tpu.matmul %get3A_6, %get3A_9, %dot_general3A {dimension_numbers = #tpu.dot_dimension_numbers<[1], [0], [0], [1], [0, 0, 1, 1], [], []>, transpose_lhs_hint = false} : vector<10240x128xf32>, vector<128x128xf32>, vector<10240x128xf32> -> vector<10240x128xf32>
    %swap3A = arith.constant 0 : index
    %swap3A_11 = arith.constant 0 : index
    %swap3A_12 = vector.load %arg3[%swap3A, %swap3A_11] : memref<10240x128xf32, #tpu.memory_space<vmem>>, vector<10240x128xf32>
    tpu.vector_store %arg3[%swap3A, %swap3A_11], %dot_general3A_10 {strides = array<i32>} : memref<10240x128xf32, #tpu.memory_space<vmem>>, vector<10240x128xf32>,
    %mul3A = vector.broadcast %rsqrt3A : vector<10240x1xf32> to vector<10240x128xf32>
    %mul3A_13 = arith.mulf %dot_general3A_10, %mul3A : vector<10240x128xf32>
    %swap3A_14 = arith.constant 0 : index
    %swap3A_15 = arith.constant 0 : index
    %swap3A_16 = vector.load %arg4[%swap3A_14, %swap3A_15] : memref<10240x128xf32, #tpu.memory_space<vmem>>, vector<10240x128xf32>
    tpu.vector_store %arg4[%swap3A_14, %swap3A_15], %mul3A_13 {strides = array<i32>} : memref<10240x128xf32, #tpu.memory_space<vmem>>, vector<10240x128xf32>,
    return
  }
}

module attributes {stable_mosaic.version = 14 : i64} {
  func.func @_layer_body(%arg0: memref<2x10240x128xf32, #tpu.memory_space<vmem>>, %arg1: memref<10240x128xf32, #tpu.memory_space<vmem>>, %arg2: memref<10240x1xf32, #tpu.memory_space<vmem>>, %arg3: memref<1x128xf32, #tpu.memory_space<vmem>>, %arg4: memref<1x128xf32, #tpu.memory_space<vmem>>, %arg5: memref<1x128xf32, #tpu.memory_space<vmem>>, %arg6: memref<128x128xf32, #tpu.memory_space<vmem>>, %arg7: memref<10240x128xf32, #tpu.memory_space<vmem>>, %arg8: memref<10240x128xf32, #tpu.memory_space<vmem>>) attributes {dimension_semantics = [], scalar_prefetch = 0 : i64, scratch_operands = 0 : i64, tpu.core_type = #tpu.core_type<tc>} {
    %get3A = arith.constant 0 : index
    %get3A_0 = arith.constant 0 : index
    %get3A_1 = vector.load %arg2[%get3A, %get3A_0] : memref<10240x1xf32, #tpu.memory_space<vmem>>, vector<10240x1xf32>
    %add3A = arith.constant 1.000000e+00 : f32
    %add3A_2 = vector.broadcast %add3A : f32 to vector<10240x1xf32>
    %add3A_3 = arith.addf %get3A_1, %add3A_2 : vector<10240x1xf32>
    %rsqrt3A = math.rsqrt %add3A_3 : vector<10240x1xf32>
    %get3A_4 = arith.constant 0 : index
    %get3A_5 = arith.constant 0 : index
    %get3A_6 = vector.load %arg1[%get3A_4, %get3A_5] : memref<10240x128xf32, #tpu.memory_space<vmem>>, vector<10240x128xf32>
    %get3A_7 = arith.constant 0 : index
    %get3A_8 = arith.constant 0 : index
    %get3A_9 = arith.constant 0 : index
    %get3A_10 = vector.load %arg0[%get3A_7, %get3A_8, %get3A_9] : memref<2x10240x128xf32, #tpu.memory_space<vmem>>, vector<1x10240x128xf32>
    %get3A_11 = vector.shape_cast %get3A_10 : vector<1x10240x128xf32> to vector<10240x128xf32>
    %get3A_12 = arith.constant 1 : index
    %get3A_13 = arith.constant 0 : index
    %get3A_14 = arith.constant 0 : index
    %get3A_15 = vector.load %arg0[%get3A_12, %get3A_13, %get3A_14] : memref<2x10240x128xf32, #tpu.memory_space<vmem>>, vector<1x10240x128xf32>
    %get3A_16 = vector.shape_cast %get3A_15 : vector<1x10240x128xf32> to vector<10240x128xf32>
    %add3A_17 = arith.addf %get3A_11, %get3A_16 : vector<10240x128xf32>
    %mul3A = vector.broadcast %rsqrt3A : vector<10240x1xf32> to vector<10240x128xf32>
    %mul3A_18 = arith.mulf %mul3A, %add3A_17 : vector<10240x128xf32>
    %mul3A_19 = arith.mulf %rsqrt3A, %rsqrt3A : vector<10240x1xf32>
    %mul3A_20 = vector.broadcast %mul3A_19 : vector<10240x1xf32> to vector<10240x128xf32>
    %mul3A_21 = arith.mulf %mul3A_20, %get3A_6 : vector<10240x128xf32>
    %add3A_22 = arith.addf %mul3A_18, %mul3A_21 : vector<10240x128xf32>
    %get3A_23 = arith.constant 0 : index
    %get3A_24 = arith.constant 0 : index
    %get3A_25 = vector.load %arg3[%get3A_23, %get3A_24] : memref<1x128xf32, #tpu.memory_space<vmem>>, vector<1x128xf32>
    %add3A_26 = vector.broadcast %get3A_25 : vector<1x128xf32> to vector<10240x128xf32>
    %add3A_27 = arith.addf %add3A_22, %add3A_26 : vector<10240x128xf32>
    %slice3A = vector.extract_strided_slice %add3A_27 {offsets = [0, 0], sizes = [10000, 128], strides = [1, 1]} : vector<10240x128xf32> to vector<10000x128xf32>
    %reduce_sum3A = arith.constant dense<0.000000e+00> : vector<128xf32>
    %reduce_sum3A_28 = vector.multi_reduction <add>, %slice3A, %reduce_sum3A [0] : vector<10000x128xf32> to vector<128xf32>
    %broadcast_in_dim3A = vector.shape_cast %reduce_sum3A_28 : vector<128xf32> to vector<1x128xf32>
    %div3A = arith.constant 1.000000e+04 : f32
    %div3A_29 = vector.broadcast %div3A : f32 to vector<1x128xf32>
    %div3A_30 = arith.divf %broadcast_in_dim3A, %div3A_29 : vector<1x128xf32>
    %sub3A = vector.broadcast %div3A_30 : vector<1x128xf32> to vector<10000x128xf32>
    %sub3A_31 = arith.subf %slice3A, %sub3A : vector<10000x128xf32>
    %integer_pow3A = arith.mulf %sub3A_31, %sub3A_31 : vector<10000x128xf32>
    %reduce_sum3A_32 = arith.constant dense<0.000000e+00> : vector<128xf32>
    %reduce_sum3A_33 = vector.multi_reduction <add>, %integer_pow3A, %reduce_sum3A_32 [0] : vector<10000x128xf32> to vector<128xf32>
    %broadcast_in_dim3A_34 = vector.shape_cast %reduce_sum3A_33 : vector<128xf32> to vector<1x128xf32>
    %div3A_35 = arith.constant 1.000000e+04 : f32
    %div3A_36 = vector.broadcast %div3A_35 : f32 to vector<1x128xf32>
    %div3A_37 = arith.divf %broadcast_in_dim3A_34, %div3A_36 : vector<1x128xf32>
    %get3A_38 = arith.constant 0 : index
    %get3A_39 = arith.constant 0 : index
    %get3A_40 = vector.load %arg4[%get3A_38, %get3A_39] : memref<1x128xf32, #tpu.memory_space<vmem>>, vector<1x128xf32>
    %sub3A_41 = vector.broadcast %div3A_30 : vector<1x128xf32> to vector<10240x128xf32>
    %sub3A_42 = arith.subf %add3A_27, %sub3A_41 : vector<10240x128xf32>
    %mul3A_43 = vector.broadcast %get3A_40 : vector<1x128xf32> to vector<10240x128xf32>
    %mul3A_44 = arith.mulf %mul3A_43, %sub3A_42 : vector<10240x128xf32>
    %add3A_45 = arith.constant 9.99999974E-6 : f32
    %add3A_46 = vector.broadcast %add3A_45 : f32 to vector<1x128xf32>
    %add3A_47 = arith.addf %div3A_37, %add3A_46 : vector<1x128xf32>
    %rsqrt3A_48 = math.rsqrt %add3A_47 : vector<1x128xf32>
    %mul3A_49 = vector.broadcast %rsqrt3A_48 : vector<1x128xf32> to vector<10240x128xf32>
    %mul3A_50 = arith.mulf %mul3A_44, %mul3A_49 : vector<10240x128xf32>
    %get3A_51 = arith.constant 0 : index
    %get3A_52 = arith.constant 0 : index
    %get3A_53 = vector.load %arg5[%get3A_51, %get3A_52] : memref<1x128xf32, #tpu.memory_space<vmem>>, vector<1x128xf32>
    %add3A_54 = vector.broadcast %get3A_53 : vector<1x128xf32> to vector<10240x128xf32>
    %add3A_55 = arith.addf %mul3A_50, %add3A_54 : vector<10240x128xf32>
    %get3A_56 = arith.constant 0 : index
    %get3A_57 = arith.constant 0 : index
    %get3A_58 = vector.load %arg6[%get3A_56, %get3A_57] : memref<128x128xf32, #tpu.memory_space<vmem>>, vector<128x128xf32>
    %dot_general3A = arith.constant dense<0.000000e+00> : vector<10240x128xf32>
    %dot_general3A_59 = tpu.matmul %add3A_55, %get3A_58, %dot_general3A {dimension_numbers = #tpu.dot_dimension_numbers<[1], [0], [0], [1], [0, 0, 1, 1], [], []>, transpose_lhs_hint = false} : vector<10240x128xf32>, vector<128x128xf32>, vector<10240x128xf32> -> vector<10240x128xf32>
    %swap3A = arith.constant 0 : index
    %swap3A_60 = arith.constant 0 : index
    %swap3A_61 = vector.load %arg7[%swap3A, %swap3A_60] : memref<10240x128xf32, #tpu.memory_space<vmem>>, vector<10240x128xf32>
    tpu.vector_store %arg7[%swap3A, %swap3A_60], %dot_general3A_59 {strides = array<i32>} : memref<10240x128xf32, #tpu.memory_space<vmem>>, vector<10240x128xf32>,
    %mul3A_62 = vector.broadcast %rsqrt3A : vector<10240x1xf32> to vector<10240x128xf32>
    %mul3A_63 = arith.mulf %dot_general3A_59, %mul3A_62 : vector<10240x128xf32>
    %swap3A_64 = arith.constant 0 : index
    %swap3A_65 = arith.constant 0 : index
    %swap3A_66 = vector.load %arg8[%swap3A_64, %swap3A_65] : memref<10240x128xf32, #tpu.memory_space<vmem>>, vector<10240x128xf32>
    tpu.vector_store %arg8[%swap3A_64, %swap3A_65], %mul3A_63 {strides = array<i32>} : memref<10240x128xf32, #tpu.memory_space<vmem>>, vector<10240x128xf32>,
    return
  }
}

module attributes {stable_mosaic.version = 14 : i64} {
  func.func @_final_body(%arg0: memref<2x10240x128xf32, #tpu.memory_space<vmem>>, %arg1: memref<10240x128xf32, #tpu.memory_space<vmem>>, %arg2: memref<10240x1xf32, #tpu.memory_space<vmem>>, %arg3: memref<1x128xf32, #tpu.memory_space<vmem>>, %arg4: memref<1x128xf32, #tpu.memory_space<vmem>>, %arg5: memref<1x128xf32, #tpu.memory_space<vmem>>, %arg6: memref<128x128xf32, #tpu.memory_space<vmem>>, %arg7: memref<1x128xf32, #tpu.memory_space<vmem>>, %arg8: memref<10240x128xf32, #tpu.memory_space<vmem>>) attributes {dimension_semantics = [], scalar_prefetch = 0 : i64, scratch_operands = 0 : i64, tpu.core_type = #tpu.core_type<tc>} {
    %get3A = arith.constant 0 : index
    %get3A_0 = arith.constant 0 : index
    %get3A_1 = vector.load %arg2[%get3A, %get3A_0] : memref<10240x1xf32, #tpu.memory_space<vmem>>, vector<10240x1xf32>
    %add3A = arith.constant 1.000000e+00 : f32
    %add3A_2 = vector.broadcast %add3A : f32 to vector<10240x1xf32>
    %add3A_3 = arith.addf %get3A_1, %add3A_2 : vector<10240x1xf32>
    %rsqrt3A = math.rsqrt %add3A_3 : vector<10240x1xf32>
    %get3A_4 = arith.constant 0 : index
    %get3A_5 = arith.constant 0 : index
    %get3A_6 = vector.load %arg1[%get3A_4, %get3A_5] : memref<10240x128xf32, #tpu.memory_space<vmem>>, vector<10240x128xf32>
    %get3A_7 = arith.constant 0 : index
    %get3A_8 = arith.constant 0 : index
    %get3A_9 = arith.constant 0 : index
    %get3A_10 = vector.load %arg0[%get3A_7, %get3A_8, %get3A_9] : memref<2x10240x128xf32, #tpu.memory_space<vmem>>, vector<1x10240x128xf32>
    %get3A_11 = vector.shape_cast %get3A_10 : vector<1x10240x128xf32> to vector<10240x128xf32>
    %get3A_12 = arith.constant 1 : index
    %get3A_13 = arith.constant 0 : index
    %get3A_14 = arith.constant 0 : index
    %get3A_15 = vector.load %arg0[%get3A_12, %get3A_13, %get3A_14] : memref<2x10240x128xf32, #tpu.memory_space<vmem>>, vector<1x10240x128xf32>
    %get3A_16 = vector.shape_cast %get3A_15 : vector<1x10240x128xf32> to vector<10240x128xf32>
    %add3A_17 = arith.addf %get3A_11, %get3A_16 : vector<10240x128xf32>
    %mul3A = vector.broadcast %rsqrt3A : vector<10240x1xf32> to vector<10240x128xf32>
    %mul3A_18 = arith.mulf %mul3A, %add3A_17 : vector<10240x128xf32>
    %mul3A_19 = arith.mulf %rsqrt3A, %rsqrt3A : vector<10240x1xf32>
    %mul3A_20 = vector.broadcast %mul3A_19 : vector<10240x1xf32> to vector<10240x128xf32>
    %mul3A_21 = arith.mulf %mul3A_20, %get3A_6 : vector<10240x128xf32>
    %add3A_22 = arith.addf %mul3A_18, %mul3A_21 : vector<10240x128xf32>
    %get3A_23 = arith.constant 0 : index
    %get3A_24 = arith.constant 0 : index
    %get3A_25 = vector.load %arg3[%get3A_23, %get3A_24] : memref<1x128xf32, #tpu.memory_space<vmem>>, vector<1x128xf32>
    %add3A_26 = vector.broadcast %get3A_25 : vector<1x128xf32> to vector<10240x128xf32>
    %add3A_27 = arith.addf %add3A_22, %add3A_26 : vector<10240x128xf32>
    %slice3A = vector.extract_strided_slice %add3A_27 {offsets = [0, 0], sizes = [10000, 128], strides = [1, 1]} : vector<10240x128xf32> to vector<10000x128xf32>
    %reduce_sum3A = arith.constant dense<0.000000e+00> : vector<128xf32>
    %reduce_sum3A_28 = vector.multi_reduction <add>, %slice3A, %reduce_sum3A [0] : vector<10000x128xf32> to vector<128xf32>
    %broadcast_in_dim3A = vector.shape_cast %reduce_sum3A_28 : vector<128xf32> to vector<1x128xf32>
    %div3A = arith.constant 1.000000e+04 : f32
    %div3A_29 = vector.broadcast %div3A : f32 to vector<1x128xf32>
    %div3A_30 = arith.divf %broadcast_in_dim3A, %div3A_29 : vector<1x128xf32>
    %sub3A = vector.broadcast %div3A_30 : vector<1x128xf32> to vector<10000x128xf32>
    %sub3A_31 = arith.subf %slice3A, %sub3A : vector<10000x128xf32>
    %integer_pow3A = arith.mulf %sub3A_31, %sub3A_31 : vector<10000x128xf32>
    %reduce_sum3A_32 = arith.constant dense<0.000000e+00> : vector<128xf32>
    %reduce_sum3A_33 = vector.multi_reduction <add>, %integer_pow3A, %reduce_sum3A_32 [0] : vector<10000x128xf32> to vector<128xf32>
    %broadcast_in_dim3A_34 = vector.shape_cast %reduce_sum3A_33 : vector<128xf32> to vector<1x128xf32>
    %div3A_35 = arith.constant 1.000000e+04 : f32
    %div3A_36 = vector.broadcast %div3A_35 : f32 to vector<1x128xf32>
    %div3A_37 = arith.divf %broadcast_in_dim3A_34, %div3A_36 : vector<1x128xf32>
    %get3A_38 = arith.constant 0 : index
    %get3A_39 = arith.constant 0 : index
    %get3A_40 = vector.load %arg4[%get3A_38, %get3A_39] : memref<1x128xf32, #tpu.memory_space<vmem>>, vector<1x128xf32>
    %sub3A_41 = vector.broadcast %div3A_30 : vector<1x128xf32> to vector<10240x128xf32>
    %sub3A_42 = arith.subf %add3A_27, %sub3A_41 : vector<10240x128xf32>
    %mul3A_43 = vector.broadcast %get3A_40 : vector<1x128xf32> to vector<10240x128xf32>
    %mul3A_44 = arith.mulf %mul3A_43, %sub3A_42 : vector<10240x128xf32>
    %add3A_45 = arith.constant 9.99999974E-6 : f32
    %add3A_46 = vector.broadcast %add3A_45 : f32 to vector<1x128xf32>
    %add3A_47 = arith.addf %div3A_37, %add3A_46 : vector<1x128xf32>
    %rsqrt3A_48 = math.rsqrt %add3A_47 : vector<1x128xf32>
    %mul3A_49 = vector.broadcast %rsqrt3A_48 : vector<1x128xf32> to vector<10240x128xf32>
    %mul3A_50 = arith.mulf %mul3A_44, %mul3A_49 : vector<10240x128xf32>
    %get3A_51 = arith.constant 0 : index
    %get3A_52 = arith.constant 0 : index
    %get3A_53 = vector.load %arg5[%get3A_51, %get3A_52] : memref<1x128xf32, #tpu.memory_space<vmem>>, vector<1x128xf32>
    %add3A_54 = vector.broadcast %get3A_53 : vector<1x128xf32> to vector<10240x128xf32>
    %add3A_55 = arith.addf %mul3A_50, %add3A_54 : vector<10240x128xf32>
    %get3A_56 = arith.constant 0 : index
    %get3A_57 = arith.constant 0 : index
    %get3A_58 = vector.load %arg6[%get3A_56, %get3A_57] : memref<128x128xf32, #tpu.memory_space<vmem>>, vector<128x128xf32>
    %dot_general3A = arith.constant dense<0.000000e+00> : vector<10240x128xf32>
    %dot_general3A_59 = tpu.matmul %add3A_55, %get3A_58, %dot_general3A {dimension_numbers = #tpu.dot_dimension_numbers<[1], [0], [0], [1], [0, 0, 1, 1], [], []>, transpose_lhs_hint = false} : vector<10240x128xf32>, vector<128x128xf32>, vector<10240x128xf32> -> vector<10240x128xf32>
    %get3A_60 = arith.constant 0 : index
    %get3A_61 = arith.constant 0 : index
    %get3A_62 = vector.load %arg7[%get3A_60, %get3A_61] : memref<1x128xf32, #tpu.memory_space<vmem>>, vector<1x128xf32>
    %add3A_63 = vector.broadcast %get3A_62 : vector<1x128xf32> to vector<10240x128xf32>
    %add3A_64 = arith.addf %dot_general3A_59, %add3A_63 : vector<10240x128xf32>
    %swap3A = arith.constant 0 : index
    %swap3A_65 = arith.constant 0 : index
    %swap3A_66 = vector.load %arg8[%swap3A, %swap3A_65] : memref<10240x128xf32, #tpu.memory_space<vmem>>, vector<10240x128xf32>
    tpu.vector_store %arg8[%swap3A, %swap3A_65], %add3A_64 {strides = array<i32>} : memref<10240x128xf32, #tpu.memory_space<vmem>>, vector<10240x128xf32>,
    return
  }
}

</mosaic_0001>

<sc_bundles>
// kernel: kernel.11.cloned.1.call-start
scs
__scs_entry_jumppad:
0x0: {  	(pc) =	sbr.rel $0x88, $3  }
0x1: {  	(tag) =	ssettag $0x0;
	lr =	simm.s32 $0x1  }
0x2: {  	[smem:$0x3F95] =	sst lr;
	_ =	strace $0xD0000000  }
0x3: {  	_ = 	snop  }
0x4: {  	_ = 	snop  }
0x5: {  	_ = 	snop  }
0x6: {  	_ = 	snop  }
0x7: {  	_ = 	snop  }
__scs_overlays_trampoline_lowered:
0x8: {  	[smem:$0x3FA4] =	sst s0  }
0x9: {  	[smem:$0x3FA5] =	sst s1  }
0xa: {  	[smem:$0x3FA6] =	sst s2  }
0xb: {  	[smem:$0x3FA7] =	sst s3  }
0xc: {  	[smem:$0x3FA8] =	sst s4  }
0xd: {  	[smem:$0x3FA9] =	sst s5  }
0xe: {  	[smem:$0x3FAA] =	sst s6  }
0xf: {  	[smem:$0x3FAB] =	sst s7  }
0x10: {  	[smem:$0x3FAC] =	sst s8  }
0x11: {  	[smem:$0x3FAD] =	sst s9;
	s0 =	simm.s32 @!p0 $0x0  }
0x12: {  	s1 =	sld [smem:$0x3F93];
	s0 =	simm.s32 @p0 $0x1  }
0x13: {  	[smem:$0x3FAE] =	sst s0;
	s0 =	simm.s32 @!p1 $0x0  }
0x14: {  	s2 =	sld [smem:$0x3F92];
	s0 =	simm.s32 @p1 $0x1  }
0x15: {  	[smem:$0x3FAF] =	sst s0;
	s0 =	simm.s32 @!p2 $0x0  }
0x16: {  	s3 =	sld [smem:$0x3FDB];
	s0 =	simm.s32 @p2 $0x1  }
0x17: {  	s4 =	simm.s32 $0x1BF5;
	[smem:$0x3FB1] =	sst s0  }
0x18: {  	s0 =	sld [smem:$0x3F94];
	_ =	swait.ge [sflag:s4], $0x0  }
0x19: {  	s7 =	sld [smem:$0x3F95]  }
0x1a: {  	s8 =	sadd.s32 $0xFFFFE003, lr  }
0x1b: {  	s9 =	sadd.s32 $0xFFFFFEF7, lr;
	s5 =	simm.s32 $0xFFFFFFFF;
	p2 =	slt.u32 s8, $0xFFFFF086  }
0x1c: {  	p1 =	slt.u32 s9, $0xF7A;
	s5 =	simm.s32 @!p2 $0x0  }
0x1d: {  	s5 =	simm.s32 @p1 $0x1;
	p0 =	seq.s32 s7, s2  }
0x1e: {  	s7 =	smul.u32 @!p0 $0xF7A, s2;
	p2 =	seq.s32 @!p0 s5, $0x0  }
0x1f: {  	s9 =	smul.u32 $0xF7A, s1;
	s8 =	simm.s32 @!p0 $0x1BF5;
	p2 =	por !p2, p0  }
0x20: {  	[sflag:s8] =	ssyncset.s32 @!p0 $0xFFFFF086;
	s6 =	sadd.s32 @!p0 s3, s7;
	s7 =	simm.s32 @!p0 $0x108  }
0x21: {  	s3 =	sadd.s32 s3, s9;
	s6 =	sadd.s32 @!p0 $0x88, s6;
	s7 =	simm.s32 @p2 $0x1082  }
0x22: {  	[simem:s7], [sflag:s8] =	dma.local @!p0 [hbm:s6], $0xF7A  }
0x23: {  	s9 =	sor.u32 $0xD0000000, s2;
	s6 =	simm.s32 $0x108;
	_ =	swait.ge @!p0 [sflag:s8], $0x0  }
0x24: {  	s3 =	sadd.s32 $0x88, s3;
	s6 =	simm.s32 @!p1 $0x1082;
	[sflag:s4] =	ssyncset.s32 $0xFFFFF086  }
0x25: {  	[simem:s6], [sflag:s4] =	dma.local [hbm:s3], $0xF7A  }
0x26: {  	[smem:$0x3F95] =	sst s1;
	(tag) =	ssettag s2;
	_ =	strace s9  }
0x27: {  	s1 =	sld [smem:$0x3FA5]  }
0x28: {  	s2 =	sld [smem:$0x3FA6]  }
0x29: {  	s4 =	sld [smem:$0x3FA8]  }
0x2a: {  	p0 =	seq.s32 s5, $0x0;
	s5 =	sld [smem:$0x3FA9]  }
0x2b: {  	s6 =	sld [smem:$0x3FAA]  }
0x2c: {  	s7 =	sld [smem:$0x3FAB]  }
0x2d: {  	s3 =	simm.s32 $0x108;
	s8 =	sld [smem:$0x3FAC]  }
0x2e: {  	s3 =	simm.s32 @!p0 $0x1082;
	s9 =	sld [smem:$0x3FAD]  }
0x2f: {  	lr =	sadd.s32 s0, s3;
	s0 =	sld [smem:$0x3FA4]  }
0x30: {  	s3 =	sld [smem:$0x3FA7]  }
0x31: {  	[smem:$0x3FB0] =	sst s10  }
0x32: {  	s10 =	sld [smem:$0x3FAE];
	_ =	sdelay $0x3  }
0x33: {  	p0 =	seq.s32 s10, $0x1;
	s10 =	sld [smem:$0x3FB0];
	_ =	sdelay $0x3  }
0x34: {  	[smem:$0x3FB0] =	sst s10  }
0x35: {  	s10 =	sld [smem:$0x3FAF];
	_ =	sdelay $0x3  }
0x36: {  	p1 =	seq.s32 s10, $0x1;
	s10 =	sld [smem:$0x3FB0];
	_ =	sdelay $0x3  }
0x37: {  	[smem:$0x3FB0] =	sst s10  }
0x38: {  	s10 =	sld [smem:$0x3FB1]  }
0x39: {  	_ = 	snop;
	(pc) =	sbr.ind lr, $3  }
0x3a: {  	_ = 	snop  }
0x3b: {  	_ = 	snop  }
0x3c: {  	p2 =	seq.s32 s10, $0x1;
	s10 =	sld [smem:$0x3FB0]  }
0x3d: {  	_ =	shalt  }
0x3e: {  	_ =	shalt  }
0x3f: {  	_ =	shalt  }
0x40: {  	_ =	shalt  }
0x41: {  	_ =	shalt  }
0x42: {  	_ =	shalt  }
0x43: {  	_ =	shalt  }
0x44: {  	_ =	shalt  }
0x45: {  	_ =	shalt  }
0x46: {  	_ =	shalt  }
0x47: {  	_ =	shalt  }
0x48: {  	_ =	shalt  }
0x49: {  	_ =	shalt  }
0x4a: {  	_ =	shalt  }
0x4b: {  	_ =	shalt  }
0x4c: {  	_ =	shalt  }
0x4d: {  	_ =	shalt  }
0x4e: {  	_ =	shalt  }
0x4f: {  	_ =	shalt  }
0x50: {  	_ =	shalt  }
0x51: {  	_ =	shalt  }
0x52: {  	_ =	shalt  }
0x53: {  	_ =	shalt  }
0x54: {  	_ =	shalt  }
0x55: {  	_ =	shalt  }
0x56: {  	_ =	shalt  }
0x57: {  	_ =	shalt  }
0x58: {  	_ =	shalt  }
0x59: {  	_ =	shalt  }
0x5a: {  	_ =	shalt  }
0x5b: {  	_ =	shalt  }
0x5c: {  	_ =	shalt  }
0x5d: {  	_ =	shalt  }
0x5e: {  	_ =	shalt  }
0x5f: {  	_ =	shalt  }
0x60: {  	_ =	shalt  }
0x61: {  	_ =	shalt  }
0x62: {  	_ =	shalt  }
0x63: {  	_ =	shalt  }
0x64: {  	_ =	shalt  }
0x65: {  	_ =	shalt  }
0x66: {  	_ =	shalt  }
0x67: {  	_ =	shalt  }
0x68: {  	_ =	shalt  }
0x69: {  	_ =	shalt  }
0x6a: {  	_ =	shalt  }
0x6b: {  	_ =	shalt  }
0x6c: {  	_ =	shalt  }
0x6d: {  	_ =	shalt  }
0x6e: {  	_ =	shalt  }
0x6f: {  	_ =	shalt  }
0x70: {  	_ =	shalt  }
0x71: {  	_ =	shalt  }
0x72: {  	_ =	shalt  }
0x73: {  	_ =	shalt  }
0x74: {  	_ =	shalt  }
0x75: {  	_ =	shalt  }
0x76: {  	_ =	shalt  }
0x77: {  	_ =	shalt  }
0x78: {  	_ =	shalt  }
0x79: {  	_ =	shalt  }
0x7a: {  	_ =	shalt  }
0x7b: {  	_ =	shalt  }
0x7c: {  	_ =	shalt  }
0x7d: {  	_ =	shalt  }
0x7e: {  	_ =	shalt  }
0x7f: {  	_ =	shalt  }
0x80: {  	_ =	shalt  }
0x81: {  	_ =	shalt  }
0x82: {  	_ =	shalt  }
0x83: {  	_ =	shalt  }
0x84: {  	_ =	shalt  }
0x85: {  	_ =	shalt  }
0x86: {  	_ =	shalt  }
0x87: {  	_ =	shalt  }
.Lfunc_end0:
.L_simem_size_0:
called_computation.1_lowered:
.L_overlay_start_0:
0x88: {  	s2 =	sld [smem:$0x3FD9]  }
0x89: {  	s3 =	sld [smem:$0x3FFE];
	_ =	sdelay $0x1  }
0x8a: {  	s1 =	srdreg.scid  }
0x8b: {  	s0 =	sand.u32 $0x1, s1  }
0x8c: {  	s17 =	sshll.u32 s0, $0xA;
	s2 =	sadd.s32 s3, s2  }
0x8d: {  	s2 =	sadd.s32 s2, s17  }
0x8e: {  	[smem:$0x3FBC] =	sst s2  }
0x8f: {  	_ = 	snop  }
0x90: {  	s2 =	sld [smem:$0x3FD0];
	(tm) =	ssettm $0x1  }
0x91: {  	s18 =	sld [smem:$0x3FFB];
	_ =	sdelay $0x3  }
0x92: {  	_ =	strace s18  }
0x93: {  	s3 =	sld [smem:$0x3FFC];
	_ =	sdelay $0x3  }
0x94: {  	_ =	strace s3  }
0x95: {  	s3 =	sld [smem:$0x3FFD];
	_ =	sdelay $0x3  }
0x96: {  	_ =	strace s3  }
0x97: {  	_ =	strace $0x8FFFFFFF  }
0x98: {  	s19 =	sld [smem:$0x3FDB];
	_ =	sdelay $0x1  }
0x99: {  	s4 =	simm.s32 $_scs_section_size  }
0x9a: {  	s5 =	simm.s32 $_size__tile_overlayer_lowered;
	s6 =	simm.s32 $_tile_overlayer_lowered  }
0x9b: {  	s22 =	simm.s32 $0x1BFF;
	s21 =	sshll.u32 s6, $0x1;
	s3 =	sadd.s32 s4, s19  }
0x9c: {  	s7 =	simm.s32 $0x0;
	s20 =	sshll.u32 s5, $0x1;
	s5 =	sadd.s32 s21, s3  }
0x9d: {  	[timem:s7], [sflag:s22] =	dma.local [hbm:s5], s20  }
0x9e: {  	_ =	swait.ge [sflag:s22], s20  }
0x9f: {  	s4 =	ssub.s32 $0x0, s20;
	[sflag:s22] =	ssyncset.done $0x0  }
0xa0: {  	[sflag:s22] =	ssyncadd.s32 s4;
	_ =	sdelay $0x1  }
0xa1: {  	s23 =	simm.s32 $0x1B8B  }
0xa2: {  	_ =	swait.ge [sflag:s23], $0x1  }
0xa3: {  	[sflag:s23] =	ssyncset.done $0x0  }
0xa4: {  	s25 =	simm.s32 $0x1B8E;
	s24 =	sld [smem:$0x3FFE];
	[sflag:s23] =	ssyncadd.s32 $0xFFFFFFFF  }
0xa5: {  	s26 =	simm.s32 $execute0_lowered;
	[smem:$0x3FD2] =	sst s25  }
0xa6: {  	s5 =	sshll.u32 s26, $0x1;
	_ =	strace $0x80000049;
	[dreg:$0x1] =	wrdreg $0xFFFFFFFF  }
0xa7: {  	s28 =	simm.s32 $_size_execute0_lowered;
	s3 =	sadd.s32 s3, s5;
	[dreg:$0x0] =	wrdreg $0x0  }
0xa8: {  	s5 =	sshll.u32 s28, $0x1;
	[dreg:$0x2] =	wrdreg s3  }
0xa9: {  	[dreg:$0x3] =	wrdreg s5  }
0xaa: {  	[dreg:$0x4] =	wrdreg $0xC0  }
0xab: {  	_ =	task [dreg:s7], $0x5FFFF  }
0xac: {  	[dreg:$0x1] =	wrdreg $0xFFFFFFFF  }
0xad: {  	[dreg:$0x0] =	wrdreg $0x60  }
0xae: {  	[dreg:$0x2] =	wrdreg s24  }
0xaf: {  	[dreg:$0x3] =	wrdreg s2  }
0xb0: {  	[dreg:$0x4] =	wrdreg $0x41000  }
0xb1: {  	[dreg:$0x5] =	wrdreg $0x9  }
0xb2: {  	_ =	task.clear_ibuf [dreg:s7], $0x6FFFF;
	_ =	strace $0x90000049  }
0xb3: {  	s29 =	simm.s32 $0x9;
	_ =	strace $0x8000004B  }
0xb4: {  	_ =	swait.ge [sflag:s29], $0x1  }
0xb5: {  	[sflag:s29] =	ssyncadd.s32 $0xFFFFFFFF  }
0xb6: {  	_ =	strace $0x9000004B  }
0xb7: {  	_ =	sfence  }
0xb8: {  	s30 =	sld [smem:$0x0];
	_ =	sdelay $0x2  }
0xb9: {  	s31 =	sshll.u32 s1, $0xD;
	s1 =	sshrl.u32 s1, $0x2  }
0xba: {  	s3 =	sand.u32 $0x4000, s31;
	s1 =	sadd.s32 s1, s30  }
0xbb: {  	s0 =	sor.u32 s3, s0;
	s1 =	sshll.u32 s1, $0x11  }
0xbc: {  	s0 =	sor.u32 s1, s0  }
0xbd: {  	s0 =	sadd.s32 $0x8F2B, s0  }
0xbe: {  	[sflag:s0] =	ssyncadd.remote.s32 $0x1  }
0xbf: {  	_ =	sfence.sel $0xFFFF  }
0xc0: {  	[dreg:$0x0] =	wrdreg $0xFFFFFFFF;
	(pc) =	sbr.abs _section_cstart, $3  }
0xc1: {  	[dreg:$0x1] =	wrdreg $0xFFFFFFFF  }
0xc2: {  	_ =	task.clear_ibuf [dreg:s7], $0x2FFFF;
	_ =	strace $0x9FFFFFFF  }
0xc3: {  	(tm) =	ssettm $0x7FFFFFFF  }
tec
execute0_lowered:
.L_overlay_start_1:
0x0: {  	(tag) =	ssettag $0x1  }
0x1: {  	s6 =	rddreg [dreg:$0x0];
	s0 =	stileid.u32  }
0x2: {  	s1 =	srdreg.scid;
	s11 =	rddreg [dreg:$0x1]  }
0x3: {  	s2 =	rddreg [dreg:$0x2];
	s3 =	simm.s32 $0x0;
	s16 =	simm.s32 $0x80  }
0x4: {  	s17 =	simm.s32 $0x1;
	s20 =	simm.s32 $0x0;
	s12 =	smul.u32 $0x9E0, s0  }
0x5: {  	s9 =	sand.u32 $0x1, s1;
	s1 =	rddreg [dreg:$0x3];
	s7 =	smul.u32 $0x14000, s0  }
0x6: {  	[smem:$0x7FF] =	sst s3;
	s8 =	smul.u32 $0x50000, s0;
	s4 =	sadd.s32 $0xD000, s6  }
0x7: {  	s18 =	sshll.u32 s0, $0x6;
	s5 =	smul.u32 $0x140000, s9;
	_ =	strace $0x8000004A  }
0x8: {  	s31 =	ssub.s32 $0x2, s9;
	s15 =	smul.u32 $0x4F0, s9;
	s18 =	sor.u32 $0x1C02, s18  }
0x9: {  	s13 =	sadd.s32 s12, s6;
	s8 =	sshrl.u32 s8, $0x2;
	s14 =	sshrl.u32 s31, $0x1  }
0xa: {  	s12 =	sadd.s32 s12, s11;
	s5 =	sadd.s32 s7, s5;
	s14 =	ssub.s32 s31, s14  }
0xb: {  	s12 =	sadd.s32 s15, s12;
	s13 =	sadd.s32 s15, s13;
	s15 =	simm.s32 $0x2  }
0xc: {  	s10 =	sshrl.u32 s5, $0x3;
	s5 =	sadd.s32 s8, s2;
	s11 =	smax.u32 s14, $0x1  }
0xd: {  	s13 =	sadd.s32 $0x3200, s13;
	s14 =	simm.s32 $0x100;
	s10 =	sadd.s32 s10, s6  }
0xe: {  	s6 =	sadd.s32 $0x4000, s5;
	s7 =	sadd.s32 $0x8000, s5;
	s8 =	sadd.s32 $0xC000, s5  }
0xf: {  	v0 =	vimm.f32 $0.0e+00;
	s9 =	sadd.s32 $0x10000, s5;
	s19 =	sshrl.u32 s5, $0x3;
	s10 =	sadd.s32 $0x35000, s10  }
.LBB2_1:
0x10: {  	s21 =	simm.s32 $0x0;
	s22 =	simm.s32 $0x200  }
.LBB2_2:
0x11: {  	p0 =	sne.s32 s22, $0xFE00;
	[tilespmem:s21+$0x170] =	vst v0  }
0x12: {  	[tilespmem:s21+$0x100] =	vst v0  }
0x13: {  	[tilespmem:s21+$0x110] =	vst v0  }
.Ltmp0:
0x14: {  	[tilespmem:s21+$0x120] =	vst v0;
	(pc) =	sbr.rel @p0 .LBB2_2-.Ltmp0, $4  }
0x15: {  	[tilespmem:s21+$0x130] =	vst v0  }
0x16: {  	[tilespmem:s21+$0x140] =	vst v0  }
0x17: {  	[tilespmem:s21+$0x150] =	vst v0  }
0x18: {  	[tilespmem:s21+$0x160] =	vst v0;
	s21 =	sshra.s32 s22, $0x2;
	s22 =	sadd.s32 $0x200, s22  }
0x19: {  	[tilespmem:s21+$0x170] =	vst v0  }
0x1a: {  	[tilespmem:s21+$0x100] =	vst v0  }
0x1b: {  	[tilespmem:s21+$0x110] =	vst v0  }
0x1c: {  	[tilespmem:s21+$0x120] =	vst v0  }
0x1d: {  	[tilespmem:s21+$0x130] =	vst v0  }
0x1e: {  	[tilespmem:s21+$0x140] =	vst v0  }
0x1f: {  	[tilespmem:s21+$0x150] =	vst v0  }
0x20: {  	[tilespmem:s21+$0x160] =	vst v0  }
0x21: {  	[spmem:s5] =	stream.linear.scatter [tilespmem:s14], [sflag:$0x2], $0x4000, $0x38;
	[tilespmem:$0x18100] =	vst v63  }
0x22: {  	_ =	swait.ge [sflag:s15], $0x4000  }
0x23: {  	[sflag:s15] =	ssyncset.done $0x0  }
0x24: {  	[sflag:s15] =	ssyncadd.s32 $0xFFFFC000  }
0x25: {  	[spmem:s6] =	stream.linear.scatter [tilespmem:s14], [sflag:$0x2], $0x4000, $0x38;
	[tilespmem:$0x18100] =	vst v63  }
0x26: {  	_ =	swait.ge [sflag:s15], $0x4000  }
0x27: {  	[sflag:s15] =	ssyncset.done $0x0  }
0x28: {  	[sflag:s15] =	ssyncadd.s32 $0xFFFFC000  }
0x29: {  	[spmem:s7] =	stream.linear.scatter [tilespmem:s14], [sflag:$0x2], $0x4000, $0x38;
	[tilespmem:$0x18100] =	vst v63  }
0x2a: {  	_ =	swait.ge [sflag:s15], $0x4000  }
0x2b: {  	[sflag:s15] =	ssyncset.done $0x0  }
0x2c: {  	[sflag:s15] =	ssyncadd.s32 $0xFFFFC000  }
0x2d: {  	[spmem:s8] =	stream.linear.scatter [tilespmem:s14], [sflag:$0x2], $0x4000, $0x38;
	[tilespmem:$0x18100] =	vst v63  }
0x2e: {  	_ =	swait.ge [sflag:s15], $0x4000  }
0x2f: {  	[sflag:s15] =	ssyncset.done $0x0  }
0x30: {  	[sflag:s15] =	ssyncadd.s32 $0xFFFFC000  }
0x31: {  	[spmem:s9] =	stream.linear.scatter [tilespmem:s14], [sflag:$0x2], $0x4000, $0x38;
	[tilespmem:$0x18100] =	vst v63  }
0x32: {  	_ =	swait.ge [sflag:s15], $0x4000  }
0x33: {  	[sflag:s15] =	ssyncset.done $0x0  }
0x34: {  	[sflag:s15] =	ssyncadd.s32 $0xFFFFC000  }
0x35: {  	s30 =	sadd.s32 $0x0, s13;
	[bflag:$0x0] =	sbarrier.arrive $0xFFFF  }
0x36: {  	[tilespmem:s3], [sflag:$0x2] =	stream.linear.gather [hbm4b:s30+s3], $0x80, $0x38;
	[tilespmem:$0x18100] =	vst v63  }
0x37: {  	_ =	swait.ge [sflag:s15], $0x80  }
0x38: {  	[sflag:s15] =	ssyncset.done $0x0  }
0x39: {  	s31 =	sadd.s32 $0x0, s12;
	[sflag:s15] =	ssyncadd.s32 $0xFFFFFF80  }
0x3a: {  	[tilespmem:s16], [sflag:$0x2] =	stream.linear.gather [hbm4b:s31+s3], $0x80, $0x38;
	[tilespmem:$0x18100] =	vst v63  }
0x3b: {  	_ =	swait.ge [sflag:s15], $0x80  }
0x3c: {  	[sflag:s15] =	ssyncset.done $0x0  }
0x3d: {  	[sflag:s15] =	ssyncadd.s32 $0xFFFFFF80  }
0x3e: {  	[tilespmem:s14], [sflag:$0x1] =	stream.indirect.gather [hbm4b:s4+s16], $0x80, s3, s16, $0xb8;
	[tilespmem:$0x18100] =	vst v63  }
0x3f: {  	_ =	swait.ge [sflag:s17], $0x4000  }
0x40: {  	[sflag:s17] =	ssyncset.done $0x0  }
0x41: {  	[sflag:s17] =	ssyncadd.s32 $0xFFFFC000  }
0x42: {  	[spmem:s2] =	stream.indirect.scatter.add.f32 [tilespmem:s14], [sflag:$0x2], $0x80, s16, s16, $0xb8;
	[tilespmem:$0x18100] =	vst v63  }
0x43: {  	_ =	swait.ge [sflag:s15], $0x4000  }
0x44: {  	s21 =	simm.s32 $0x10;
	s22 =	simm.s32 $0x20;
	[sflag:s15] =	ssyncset.done $0x0  }
.LBB2_4:
0x45: {  	s23 =	sadd.s32 s21, s13  }
0x46: {  	[sflag:s15] =	ssyncadd.s32 $0xFFFFC000;
	s24 =	smov.u32 s22;
	s25 =	sadd.s32 $0x10, s22  }
0x47: {  	[tilespmem:s3], [sflag:$0x2] =	stream.linear.gather [hbm4b:s23+s3], $0x80, $0x38;
	[tilespmem:$0x18100] =	vst v63  }
0x48: {  	p0 =	sne.s32 s22, $0x4E0;
	_ =	swait.ge [sflag:s15], $0x80  }
0x49: {  	[sflag:s15] =	ssyncset.done $0x0  }
0x4a: {  	s22 =	sadd.s32 s21, s12;
	s21 =	smov.u32 s24;
	[sflag:s15] =	ssyncadd.s32 $0xFFFFFF80  }
0x4b: {  	[tilespmem:s16], [sflag:$0x2] =	stream.linear.gather [hbm4b:s22+s3], $0x80, $0x38;
	[tilespmem:$0x18100] =	vst v63  }
0x4c: {  	_ =	swait.ge [sflag:s15], $0x80  }
0x4d: {  	[sflag:s15] =	ssyncset.done $0x0  }
0x4e: {  	[sflag:s15] =	ssyncadd.s32 $0xFFFFFF80  }
0x4f: {  	[tilespmem:s14], [sflag:$0x1] =	stream.indirect.gather [hbm4b:s4+s16], $0x80, s3, s16, $0xb8;
	[tilespmem:$0x18100] =	vst v63  }
0x50: {  	_ =	swait.ge [sflag:s17], $0x4000  }
.Ltmp1:
0x51: {  	[sflag:s17] =	ssyncset.done $0x0;
	(pc) =	sbr.rel @p0 .LBB2_4-.Ltmp1, $4  }
0x52: {  	[sflag:s17] =	ssyncadd.s32 $0xFFFFC000  }
0x53: {  	[spmem:s2] =	stream.indirect.scatter.add.f32 [tilespmem:s14], [sflag:$0x2], $0x80, s16, s16, $0xb8;
	[tilespmem:$0x18100] =	vst v63  }
0x54: {  	_ =	swait.ge [sflag:s15], $0x4000  }
0x55: {  	s22 =	smov.u32 s25;
	[sflag:s15] =	ssyncset.done $0x0  }
0x56: {  	s22 =	sadd.s32 s21, s13;
	[sflag:s15] =	ssyncadd.s32 $0xFFFFC000  }
0x57: {  	[tilespmem:s3], [sflag:$0x2] =	stream.linear.gather [hbm4b:s22+s3], $0x80, $0x38;
	[tilespmem:$0x18100] =	vst v63  }
0x58: {  	_ =	swait.ge [sflag:s15], $0x80  }
0x59: {  	[sflag:s15] =	ssyncset.done $0x0  }
0x5a: {  	s31 =	sadd.s32 s21, s12;
	[sflag:s15] =	ssyncadd.s32 $0xFFFFFF80  }
0x5b: {  	[tilespmem:s16], [sflag:$0x2] =	stream.linear.gather [hbm4b:s31+s3], $0x80, $0x38;
	[tilespmem:$0x18100] =	vst v63  }
0x5c: {  	_ =	swait.ge [sflag:s15], $0x80  }
0x5d: {  	[sflag:s15] =	ssyncset.done $0x0  }
0x5e: {  	[sflag:s15] =	ssyncadd.s32 $0xFFFFFF80  }
0x5f: {  	[tilespmem:s14], [sflag:$0x1] =	stream.indirect.gather [hbm4b:s4+s16], $0x80, s3, s16, $0xb8;
	[tilespmem:$0x18100] =	vst v63  }
0x60: {  	_ =	swait.ge [sflag:s17], $0x4000  }
0x61: {  	[sflag:s17] =	ssyncset.done $0x0  }
0x62: {  	[sflag:s17] =	ssyncadd.s32 $0xFFFFC000  }
0x63: {  	[spmem:s2] =	stream.indirect.scatter.add.f32 [tilespmem:s14], [sflag:$0x2], $0x80, s16, s16, $0xb8;
	[tilespmem:$0x18100] =	vst v63  }
0x64: {  	_ =	swait.ge [sflag:s15], $0x4000  }
0x65: {  	s20 =	sadd.s32 $0x1, s20;
	[sflag:s15] =	ssyncset.done $0x0  }
0x66: {  	p0 =	sne.s32 s20, s11;
	[sflag:s15] =	ssyncadd.s32 $0xFFFFC000  }
.Ltmp2:
0x67: {  	[bflag:$0x0] =	sbarrier.arrive $0xFFFF;
	(pc) =	sbr.rel @p0 .LBB2_1-.Ltmp2, $4  }
0x68: {  	[hbm:s10], [sflag:s18] =	dma.local [spmem:s19], $0x2800  }
0x69: {  	_ =	swait.ge [sflag:s15], $0x2800  }
0x6a: {  	[sflag:s15] =	ssyncset.done $0x0  }
0x6b: {  	[sflag:s15] =	ssyncadd.s32 $0xFFFFD800  }
0x6c: {  	_ =	sfence.sel $0x180000  }
0x6d: {  	[bflag:$0x0] =	sbarrier.arrive $0xFFFF  }
0x6e: {  	p0 =	sne.s32 s0, $0x0;
	_ =	strace $0x9000004A  }
0x6f: {  	s0 =	sadd.s32 @!p0 $0x100000, s1;
	[bflag:$0x2] =	sbarrier.arrive $0xFFFF  }
0x70: {  	[sflag:s0] =	ssyncadd.tile.s32 @!p0 $0x1;
	_ =	shalt  }
.Lfunc_end2:
_tile_overlayer_lowered:
.L_overlay_start_2:
0x71: {  	(tag) =	ssettag $0x2  }
0x72: {  	s0 =	rddreg [dreg:$0x0];
	s2 =	stileid.u32  }
0x73: {  	s1 =	rddreg [dreg:$0x1];
	p0 =	sne.s32 s2, $0x0  }
0x74: {  	s3 =	rddreg [dreg:$0x2];
	[bflag:$0x3] =	sbarrier.arrive $0xFFFF;
	s2 =	simm.s32 @!p0 $0x1C02  }
0x75: {  	[timem:s3], [sflag:s2] =	dma.local @!p0 [hbm:s0], s1  }
0x76: {  	s0 =	simm.s32 @!p0 $0x2  }
0x77: {  	_ =	swait.ge @!p0 [sflag:s0], s1  }
0x78: {  	s1 =	ssub.s32 @!p0 $0x0, s1;
	[sflag:s0] =	ssyncset.done @!p0 $0x0  }
0x79: {  	[sflag:s0] =	ssyncadd.s32 @!p0 s1  }
0x7a: {  	[bflag:$0x3] =	sbarrier.arrive $0xFFFF  }
0x7b: {  	_ =	shalt  }

// kernel: kernel.14.cloned.1.call-start
scs
__scs_entry_jumppad:
0x0: {  	(pc) =	sbr.rel $0x88, $3  }
0x1: {  	(tag) =	ssettag $0x0;
	lr =	simm.s32 $0x1  }
0x2: {  	[smem:$0x3F95] =	sst lr;
	_ =	strace $0xD0000000  }
0x3: {  	_ = 	snop  }
0x4: {  	_ = 	snop  }
0x5: {  	_ = 	snop  }
0x6: {  	_ = 	snop  }
0x7: {  	_ = 	snop  }
__scs_overlays_trampoline_lowered:
0x8: {  	[smem:$0x3FA4] =	sst s0  }
0x9: {  	[smem:$0x3FA5] =	sst s1  }
0xa: {  	[smem:$0x3FA6] =	sst s2  }
0xb: {  	[smem:$0x3FA7] =	sst s3  }
0xc: {  	[smem:$0x3FA8] =	sst s4  }
0xd: {  	[smem:$0x3FA9] =	sst s5  }
0xe: {  	[smem:$0x3FAA] =	sst s6  }
0xf: {  	[smem:$0x3FAB] =	sst s7  }
0x10: {  	[smem:$0x3FAC] =	sst s8  }
0x11: {  	[smem:$0x3FAD] =	sst s9;
	s0 =	simm.s32 @!p0 $0x0  }
0x12: {  	s1 =	sld [smem:$0x3F93];
	s0 =	simm.s32 @p0 $0x1  }
0x13: {  	[smem:$0x3FAE] =	sst s0;
	s0 =	simm.s32 @!p1 $0x0  }
0x14: {  	s2 =	sld [smem:$0x3F92];
	s0 =	simm.s32 @p1 $0x1  }
0x15: {  	[smem:$0x3FAF] =	sst s0;
	s0 =	simm.s32 @!p2 $0x0  }
0x16: {  	s3 =	sld [smem:$0x3FDB];
	s0 =	simm.s32 @p2 $0x1  }
0x17: {  	s4 =	simm.s32 $0x1BF5;
	[smem:$0x3FB1] =	sst s0  }
0x18: {  	s0 =	sld [smem:$0x3F94];
	_ =	swait.ge [sflag:s4], $0x0  }
0x19: {  	s7 =	sld [smem:$0x3F95]  }
0x1a: {  	s8 =	sadd.s32 $0xFFFFE003, lr  }
0x1b: {  	s9 =	sadd.s32 $0xFFFFFEF7, lr;
	s5 =	simm.s32 $0xFFFFFFFF;
	p2 =	slt.u32 s8, $0xFFFFF086  }
0x1c: {  	p1 =	slt.u32 s9, $0xF7A;
	s5 =	simm.s32 @!p2 $0x0  }
0x1d: {  	s5 =	simm.s32 @p1 $0x1;
	p0 =	seq.s32 s7, s2  }
0x1e: {  	s7 =	smul.u32 @!p0 $0xF7A, s2;
	p2 =	seq.s32 @!p0 s5, $0x0  }
0x1f: {  	s9 =	smul.u32 $0xF7A, s1;
	s8 =	simm.s32 @!p0 $0x1BF5;
	p2 =	por !p2, p0  }
0x20: {  	[sflag:s8] =	ssyncset.s32 @!p0 $0xFFFFF086;
	s6 =	sadd.s32 @!p0 s3, s7;
	s7 =	simm.s32 @!p0 $0x108  }
0x21: {  	s3 =	sadd.s32 s3, s9;
	s6 =	sadd.s32 @!p0 $0x88, s6;
	s7 =	simm.s32 @p2 $0x1082  }
0x22: {  	[simem:s7], [sflag:s8] =	dma.local @!p0 [hbm:s6], $0xF7A  }
0x23: {  	s9 =	sor.u32 $0xD0000000, s2;
	s6 =	simm.s32 $0x108;
	_ =	swait.ge @!p0 [sflag:s8], $0x0  }
0x24: {  	s3 =	sadd.s32 $0x88, s3;
	s6 =	simm.s32 @!p1 $0x1082;
	[sflag:s4] =	ssyncset.s32 $0xFFFFF086  }
0x25: {  	[simem:s6], [sflag:s4] =	dma.local [hbm:s3], $0xF7A  }
0x26: {  	[smem:$0x3F95] =	sst s1;
	(tag) =	ssettag s2;
	_ =	strace s9  }
0x27: {  	s1 =	sld [smem:$0x3FA5]  }
0x28: {  	s2 =	sld [smem:$0x3FA6]  }
0x29: {  	s4 =	sld [smem:$0x3FA8]  }
0x2a: {  	p0 =	seq.s32 s5, $0x0;
	s5 =	sld [smem:$0x3FA9]  }
0x2b: {  	s6 =	sld [smem:$0x3FAA]  }
0x2c: {  	s7 =	sld [smem:$0x3FAB]  }
0x2d: {  	s3 =	simm.s32 $0x108;
	s8 =	sld [smem:$0x3FAC]  }
0x2e: {  	s3 =	simm.s32 @!p0 $0x1082;
	s9 =	sld [smem:$0x3FAD]  }
0x2f: {  	lr =	sadd.s32 s0, s3;
	s0 =	sld [smem:$0x3FA4]  }
0x30: {  	s3 =	sld [smem:$0x3FA7]  }
0x31: {  	[smem:$0x3FB0] =	sst s10  }
0x32: {  	s10 =	sld [smem:$0x3FAE];
	_ =	sdelay $0x3  }
0x33: {  	p0 =	seq.s32 s10, $0x1;
	s10 =	sld [smem:$0x3FB0];
	_ =	sdelay $0x3  }
0x34: {  	[smem:$0x3FB0] =	sst s10  }
0x35: {  	s10 =	sld [smem:$0x3FAF];
	_ =	sdelay $0x3  }
0x36: {  	p1 =	seq.s32 s10, $0x1;
	s10 =	sld [smem:$0x3FB0];
	_ =	sdelay $0x3  }
0x37: {  	[smem:$0x3FB0] =	sst s10  }
0x38: {  	s10 =	sld [smem:$0x3FB1]  }
0x39: {  	_ = 	snop;
	(pc) =	sbr.ind lr, $3  }
0x3a: {  	_ = 	snop  }
0x3b: {  	_ = 	snop  }
0x3c: {  	p2 =	seq.s32 s10, $0x1;
	s10 =	sld [smem:$0x3FB0]  }
0x3d: {  	_ =	shalt  }
0x3e: {  	_ =	shalt  }
0x3f: {  	_ =	shalt  }
0x40: {  	_ =	shalt  }
0x41: {  	_ =	shalt  }
0x42: {  	_ =	shalt  }
0x43: {  	_ =	shalt  }
0x44: {  	_ =	shalt  }
0x45: {  	_ =	shalt  }
0x46: {  	_ =	shalt  }
0x47: {  	_ =	shalt  }
0x48: {  	_ =	shalt  }
0x49: {  	_ =	shalt  }
0x4a: {  	_ =	shalt  }
0x4b: {  	_ =	shalt  }
0x4c: {  	_ =	shalt  }
0x4d: {  	_ =	shalt  }
0x4e: {  	_ =	shalt  }
0x4f: {  	_ =	shalt  }
0x50: {  	_ =	shalt  }
0x51: {  	_ =	shalt  }
0x52: {  	_ =	shalt  }
0x53: {  	_ =	shalt  }
0x54: {  	_ =	shalt  }
0x55: {  	_ =	shalt  }
0x56: {  	_ =	shalt  }
0x57: {  	_ =	shalt  }
0x58: {  	_ =	shalt  }
0x59: {  	_ =	shalt  }
0x5a: {  	_ =	shalt  }
0x5b: {  	_ =	shalt  }
0x5c: {  	_ =	shalt  }
0x5d: {  	_ =	shalt  }
0x5e: {  	_ =	shalt  }
0x5f: {  	_ =	shalt  }
0x60: {  	_ =	shalt  }
0x61: {  	_ =	shalt  }
0x62: {  	_ =	shalt  }
0x63: {  	_ =	shalt  }
0x64: {  	_ =	shalt  }
0x65: {  	_ =	shalt  }
0x66: {  	_ =	shalt  }
0x67: {  	_ =	shalt  }
0x68: {  	_ =	shalt  }
0x69: {  	_ =	shalt  }
0x6a: {  	_ =	shalt  }
0x6b: {  	_ =	shalt  }
0x6c: {  	_ =	shalt  }
0x6d: {  	_ =	shalt  }
0x6e: {  	_ =	shalt  }
0x6f: {  	_ =	shalt  }
0x70: {  	_ =	shalt  }
0x71: {  	_ =	shalt  }
0x72: {  	_ =	shalt  }
0x73: {  	_ =	shalt  }
0x74: {  	_ =	shalt  }
0x75: {  	_ =	shalt  }
0x76: {  	_ =	shalt  }
0x77: {  	_ =	shalt  }
0x78: {  	_ =	shalt  }
0x79: {  	_ =	shalt  }
0x7a: {  	_ =	shalt  }
0x7b: {  	_ =	shalt  }
0x7c: {  	_ =	shalt  }
0x7d: {  	_ =	shalt  }
0x7e: {  	_ =	shalt  }
0x7f: {  	_ =	shalt  }
0x80: {  	_ =	shalt  }
0x81: {  	_ =	shalt  }
0x82: {  	_ =	shalt  }
0x83: {  	_ =	shalt  }
0x84: {  	_ =	shalt  }
0x85: {  	_ =	shalt  }
0x86: {  	_ =	shalt  }
0x87: {  	_ =	shalt  }
.Lfunc_end0:
.L_simem_size_0:
called_computation.2_lowered:
.L_overlay_start_0:
0x88: {  	s2 =	sld [smem:$0x3FD9]  }
0x89: {  	s3 =	sld [smem:$0x3FFE];
	_ =	sdelay $0x1  }
0x8a: {  	s1 =	srdreg.scid  }
0x8b: {  	s0 =	sand.u32 $0x1, s1  }
0x8c: {  	s17 =	sshll.u32 s0, $0xA;
	s2 =	sadd.s32 s3, s2  }
0x8d: {  	s2 =	sadd.s32 s2, s17  }
0x8e: {  	[smem:$0x3FBC] =	sst s2  }
0x8f: {  	_ = 	snop  }
0x90: {  	s2 =	sld [smem:$0x3FD0];
	(tm) =	ssettm $0x1  }
0x91: {  	s18 =	sld [smem:$0x3FFB];
	_ =	sdelay $0x3  }
0x92: {  	_ =	strace s18  }
0x93: {  	s3 =	sld [smem:$0x3FFC];
	_ =	sdelay $0x3  }
0x94: {  	_ =	strace s3  }
0x95: {  	s3 =	sld [smem:$0x3FFD];
	_ =	sdelay $0x3  }
0x96: {  	_ =	strace s3  }
0x97: {  	_ =	strace $0x8FFFFFFF  }
0x98: {  	s19 =	sld [smem:$0x3FDB];
	_ =	sdelay $0x1  }
0x99: {  	s4 =	simm.s32 $_scs_section_size  }
0x9a: {  	s5 =	simm.s32 $_size__tile_overlayer_lowered;
	s6 =	simm.s32 $_tile_overlayer_lowered  }
0x9b: {  	s22 =	simm.s32 $0x1BFF;
	s21 =	sshll.u32 s6, $0x1;
	s3 =	sadd.s32 s4, s19  }
0x9c: {  	s7 =	simm.s32 $0x0;
	s20 =	sshll.u32 s5, $0x1;
	s5 =	sadd.s32 s21, s3  }
0x9d: {  	[timem:s7], [sflag:s22] =	dma.local [hbm:s5], s20  }
0x9e: {  	_ =	swait.ge [sflag:s22], s20  }
0x9f: {  	s4 =	ssub.s32 $0x0, s20;
	[sflag:s22] =	ssyncset.done $0x0  }
0xa0: {  	[sflag:s22] =	ssyncadd.s32 s4;
	_ =	sdelay $0x1  }
0xa1: {  	s23 =	simm.s32 $0x1B8B  }
0xa2: {  	_ =	swait.ge [sflag:s23], $0x1  }
0xa3: {  	[sflag:s23] =	ssyncset.done $0x0  }
0xa4: {  	s25 =	simm.s32 $0x1B8E;
	s24 =	sld [smem:$0x3FFE];
	[sflag:s23] =	ssyncadd.s32 $0xFFFFFFFF  }
0xa5: {  	s26 =	simm.s32 $execute0_lowered;
	[smem:$0x3FD2] =	sst s25  }
0xa6: {  	s5 =	sshll.u32 s26, $0x1;
	_ =	strace $0x8000004C;
	[dreg:$0x1] =	wrdreg $0xFFFFFFFF  }
0xa7: {  	s28 =	simm.s32 $_size_execute0_lowered;
	s3 =	sadd.s32 s3, s5;
	[dreg:$0x0] =	wrdreg $0x0  }
0xa8: {  	s5 =	sshll.u32 s28, $0x1;
	[dreg:$0x2] =	wrdreg s3  }
0xa9: {  	[dreg:$0x3] =	wrdreg s5  }
0xaa: {  	[dreg:$0x4] =	wrdreg $0xC0  }
0xab: {  	_ =	task [dreg:s7], $0x5FFFF  }
0xac: {  	[dreg:$0x1] =	wrdreg $0xFFFFFFFF  }
0xad: {  	[dreg:$0x0] =	wrdreg $0x60  }
0xae: {  	[dreg:$0x2] =	wrdreg s24  }
0xaf: {  	[dreg:$0x3] =	wrdreg s2  }
0xb0: {  	[dreg:$0x4] =	wrdreg $0x41000  }
0xb1: {  	[dreg:$0x5] =	wrdreg $0x9  }
0xb2: {  	_ =	task.clear_ibuf [dreg:s7], $0x6FFFF;
	_ =	strace $0x9000004C  }
0xb3: {  	s29 =	simm.s32 $0x9;
	_ =	strace $0x8000004E  }
0xb4: {  	_ =	swait.ge [sflag:s29], $0x1  }
0xb5: {  	[sflag:s29] =	ssyncadd.s32 $0xFFFFFFFF  }
0xb6: {  	_ =	strace $0x9000004E  }
0xb7: {  	_ =	sfence  }
0xb8: {  	s30 =	sld [smem:$0x0];
	_ =	sdelay $0x2  }
0xb9: {  	s31 =	sshll.u32 s1, $0xD;
	s1 =	sshrl.u32 s1, $0x2  }
0xba: {  	s3 =	sand.u32 $0x4000, s31;
	s1 =	sadd.s32 s1, s30  }
0xbb: {  	s0 =	sor.u32 s3, s0;
	s1 =	sshll.u32 s1, $0x11  }
0xbc: {  	s0 =	sor.u32 s1, s0  }
0xbd: {  	s0 =	sadd.s32 $0x8F2B, s0  }
0xbe: {  	[sflag:s0] =	ssyncadd.remote.s32 $0x1  }
0xbf: {  	_ =	sfence.sel $0xFFFF  }
0xc0: {  	[dreg:$0x0] =	wrdreg $0xFFFFFFFF;
	(pc) =	sbr.abs _section_cstart, $3  }
0xc1: {  	[dreg:$0x1] =	wrdreg $0xFFFFFFFF  }
0xc2: {  	_ =	task.clear_ibuf [dreg:s7], $0x2FFFF;
	_ =	strace $0x9FFFFFFF  }
0xc3: {  	(tm) =	ssettm $0x7FFFFFFF  }
tec
execute0_lowered:
.L_overlay_start_1:
0x0: {  	(tag) =	ssettag $0x1  }
0x1: {  	s6 =	rddreg [dreg:$0x0];
	s0 =	stileid.u32  }
0x2: {  	s1 =	srdreg.scid;
	s11 =	rddreg [dreg:$0x1]  }
0x3: {  	s2 =	rddreg [dreg:$0x2];
	s3 =	simm.s32 $0x0;
	s16 =	simm.s32 $0x80  }
0x4: {  	s17 =	simm.s32 $0x1;
	s20 =	simm.s32 $0x0;
	s12 =	smul.u32 $0x9E0, s0  }
0x5: {  	s9 =	sand.u32 $0x1, s1;
	s1 =	rddreg [dreg:$0x3];
	s7 =	smul.u32 $0x14000, s0  }
0x6: {  	[smem:$0x7FF] =	sst s3;
	s8 =	smul.u32 $0x50000, s0;
	s4 =	sadd.s32 $0xD000, s6  }
0x7: {  	s18 =	sshll.u32 s0, $0x6;
	s5 =	smul.u32 $0x140000, s9;
	_ =	strace $0x8000004D  }
0x8: {  	s31 =	ssub.s32 $0x2, s9;
	s15 =	smul.u32 $0x4F0, s9;
	s18 =	sor.u32 $0x1C02, s18  }
0x9: {  	s13 =	sadd.s32 s12, s6;
	s8 =	sshrl.u32 s8, $0x2;
	s14 =	sshrl.u32 s31, $0x1  }
0xa: {  	s12 =	sadd.s32 s12, s11;
	s5 =	sadd.s32 s7, s5;
	s14 =	ssub.s32 s31, s14  }
0xb: {  	s12 =	sadd.s32 s15, s12;
	s13 =	sadd.s32 s15, s13;
	s15 =	simm.s32 $0x2  }
0xc: {  	s10 =	sshrl.u32 s5, $0x3;
	s5 =	sadd.s32 s8, s2;
	s11 =	smax.u32 s14, $0x1  }
0xd: {  	s13 =	sadd.s32 $0x3200, s13;
	s14 =	simm.s32 $0x100;
	s10 =	sadd.s32 s10, s6  }
0xe: {  	s6 =	sadd.s32 $0x4000, s5;
	s7 =	sadd.s32 $0x8000, s5;
	s8 =	sadd.s32 $0xC000, s5  }
0xf: {  	v0 =	vimm.f32 $0.0e+00;
	s9 =	sadd.s32 $0x10000, s5;
	s19 =	sshrl.u32 s5, $0x3;
	s10 =	sadd.s32 $0x35000, s10  }
.LBB2_1:
0x10: {  	s21 =	simm.s32 $0x0;
	s22 =	simm.s32 $0x200  }
.LBB2_2:
0x11: {  	p0 =	sne.s32 s22, $0xFE00;
	[tilespmem:s21+$0x170] =	vst v0  }
0x12: {  	[tilespmem:s21+$0x100] =	vst v0  }
0x13: {  	[tilespmem:s21+$0x110] =	vst v0  }
.Ltmp0:
0x14: {  	[tilespmem:s21+$0x120] =	vst v0;
	(pc) =	sbr.rel @p0 .LBB2_2-.Ltmp0, $4  }
0x15: {  	[tilespmem:s21+$0x130] =	vst v0  }
0x16: {  	[tilespmem:s21+$0x140] =	vst v0  }
0x17: {  	[tilespmem:s21+$0x150] =	vst v0  }
0x18: {  	[tilespmem:s21+$0x160] =	vst v0;
	s21 =	sshra.s32 s22, $0x2;
	s22 =	sadd.s32 $0x200, s22  }
0x19: {  	[tilespmem:s21+$0x170] =	vst v0  }
0x1a: {  	[tilespmem:s21+$0x100] =	vst v0  }
0x1b: {  	[tilespmem:s21+$0x110] =	vst v0  }
0x1c: {  	[tilespmem:s21+$0x120] =	vst v0  }
0x1d: {  	[tilespmem:s21+$0x130] =	vst v0  }
0x1e: {  	[tilespmem:s21+$0x140] =	vst v0  }
0x1f: {  	[tilespmem:s21+$0x150] =	vst v0  }
0x20: {  	[tilespmem:s21+$0x160] =	vst v0  }
0x21: {  	[spmem:s5] =	stream.linear.scatter [tilespmem:s14], [sflag:$0x2], $0x4000, $0x38;
	[tilespmem:$0x18100] =	vst v63  }
0x22: {  	_ =	swait.ge [sflag:s15], $0x4000  }
0x23: {  	[sflag:s15] =	ssyncset.done $0x0  }
0x24: {  	[sflag:s15] =	ssyncadd.s32 $0xFFFFC000  }
0x25: {  	[spmem:s6] =	stream.linear.scatter [tilespmem:s14], [sflag:$0x2], $0x4000, $0x38;
	[tilespmem:$0x18100] =	vst v63  }
0x26: {  	_ =	swait.ge [sflag:s15], $0x4000  }
0x27: {  	[sflag:s15] =	ssyncset.done $0x0  }
0x28: {  	[sflag:s15] =	ssyncadd.s32 $0xFFFFC000  }
0x29: {  	[spmem:s7] =	stream.linear.scatter [tilespmem:s14], [sflag:$0x2], $0x4000, $0x38;
	[tilespmem:$0x18100] =	vst v63  }
0x2a: {  	_ =	swait.ge [sflag:s15], $0x4000  }
0x2b: {  	[sflag:s15] =	ssyncset.done $0x0  }
0x2c: {  	[sflag:s15] =	ssyncadd.s32 $0xFFFFC000  }
0x2d: {  	[spmem:s8] =	stream.linear.scatter [tilespmem:s14], [sflag:$0x2], $0x4000, $0x38;
	[tilespmem:$0x18100] =	vst v63  }
0x2e: {  	_ =	swait.ge [sflag:s15], $0x4000  }
0x2f: {  	[sflag:s15] =	ssyncset.done $0x0  }
0x30: {  	[sflag:s15] =	ssyncadd.s32 $0xFFFFC000  }
0x31: {  	[spmem:s9] =	stream.linear.scatter [tilespmem:s14], [sflag:$0x2], $0x4000, $0x38;
	[tilespmem:$0x18100] =	vst v63  }
0x32: {  	_ =	swait.ge [sflag:s15], $0x4000  }
0x33: {  	[sflag:s15] =	ssyncset.done $0x0  }
0x34: {  	[sflag:s15] =	ssyncadd.s32 $0xFFFFC000  }
0x35: {  	s30 =	sadd.s32 $0x0, s13;
	[bflag:$0x0] =	sbarrier.arrive $0xFFFF  }
0x36: {  	[tilespmem:s3], [sflag:$0x2] =	stream.linear.gather [hbm4b:s30+s3], $0x80, $0x38;
	[tilespmem:$0x18100] =	vst v63  }
0x37: {  	_ =	swait.ge [sflag:s15], $0x80  }
0x38: {  	[sflag:s15] =	ssyncset.done $0x0  }
0x39: {  	s31 =	sadd.s32 $0x0, s12;
	[sflag:s15] =	ssyncadd.s32 $0xFFFFFF80  }
0x3a: {  	[tilespmem:s16], [sflag:$0x2] =	stream.linear.gather [hbm4b:s31+s3], $0x80, $0x38;
	[tilespmem:$0x18100] =	vst v63  }
0x3b: {  	_ =	swait.ge [sflag:s15], $0x80  }
0x3c: {  	[sflag:s15] =	ssyncset.done $0x0  }
0x3d: {  	[sflag:s15] =	ssyncadd.s32 $0xFFFFFF80  }
0x3e: {  	[tilespmem:s14], [sflag:$0x1] =	stream.indirect.gather [hbm4b:s4+s16], $0x80, s3, s16, $0xb8;
	[tilespmem:$0x18100] =	vst v63  }
0x3f: {  	_ =	swait.ge [sflag:s17], $0x4000  }
0x40: {  	[sflag:s17] =	ssyncset.done $0x0  }
0x41: {  	[sflag:s17] =	ssyncadd.s32 $0xFFFFC000  }
0x42: {  	[spmem:s2] =	stream.indirect.scatter.add.f32 [tilespmem:s14], [sflag:$0x2], $0x80, s16, s16, $0xb8;
	[tilespmem:$0x18100] =	vst v63  }
0x43: {  	_ =	swait.ge [sflag:s15], $0x4000  }
0x44: {  	s21 =	simm.s32 $0x10;
	s22 =	simm.s32 $0x20;
	[sflag:s15] =	ssyncset.done $0x0  }
.LBB2_4:
0x45: {  	s23 =	sadd.s32 s21, s13  }
0x46: {  	[sflag:s15] =	ssyncadd.s32 $0xFFFFC000;
	s24 =	smov.u32 s22;
	s25 =	sadd.s32 $0x10, s22  }
0x47: {  	[tilespmem:s3], [sflag:$0x2] =	stream.linear.gather [hbm4b:s23+s3], $0x80, $0x38;
	[tilespmem:$0x18100] =	vst v63  }
0x48: {  	p0 =	sne.s32 s22, $0x4E0;
	_ =	swait.ge [sflag:s15], $0x80  }
0x49: {  	[sflag:s15] =	ssyncset.done $0x0  }
0x4a: {  	s22 =	sadd.s32 s21, s12;
	s21 =	smov.u32 s24;
	[sflag:s15] =	ssyncadd.s32 $0xFFFFFF80  }
0x4b: {  	[tilespmem:s16], [sflag:$0x2] =	stream.linear.gather [hbm4b:s22+s3], $0x80, $0x38;
	[tilespmem:$0x18100] =	vst v63  }
0x4c: {  	_ =	swait.ge [sflag:s15], $0x80  }
0x4d: {  	[sflag:s15] =	ssyncset.done $0x0  }
0x4e: {  	[sflag:s15] =	ssyncadd.s32 $0xFFFFFF80  }
0x4f: {  	[tilespmem:s14], [sflag:$0x1] =	stream.indirect.gather [hbm4b:s4+s16], $0x80, s3, s16, $0xb8;
	[tilespmem:$0x18100] =	vst v63  }
0x50: {  	_ =	swait.ge [sflag:s17], $0x4000  }
.Ltmp1:
0x51: {  	[sflag:s17] =	ssyncset.done $0x0;
	(pc) =	sbr.rel @p0 .LBB2_4-.Ltmp1, $4  }
0x52: {  	[sflag:s17] =	ssyncadd.s32 $0xFFFFC000  }
0x53: {  	[spmem:s2] =	stream.indirect.scatter.add.f32 [tilespmem:s14], [sflag:$0x2], $0x80, s16, s16, $0xb8;
	[tilespmem:$0x18100] =	vst v63  }
0x54: {  	_ =	swait.ge [sflag:s15], $0x4000  }
0x55: {  	s22 =	smov.u32 s25;
	[sflag:s15] =	ssyncset.done $0x0  }
0x56: {  	s22 =	sadd.s32 s21, s13;
	[sflag:s15] =	ssyncadd.s32 $0xFFFFC000  }
0x57: {  	[tilespmem:s3], [sflag:$0x2] =	stream.linear.gather [hbm4b:s22+s3], $0x80, $0x38;
	[tilespmem:$0x18100] =	vst v63  }
0x58: {  	_ =	swait.ge [sflag:s15], $0x80  }
0x59: {  	[sflag:s15] =	ssyncset.done $0x0  }
0x5a: {  	s31 =	sadd.s32 s21, s12;
	[sflag:s15] =	ssyncadd.s32 $0xFFFFFF80  }
0x5b: {  	[tilespmem:s16], [sflag:$0x2] =	stream.linear.gather [hbm4b:s31+s3], $0x80, $0x38;
	[tilespmem:$0x18100] =	vst v63  }
0x5c: {  	_ =	swait.ge [sflag:s15], $0x80  }
0x5d: {  	[sflag:s15] =	ssyncset.done $0x0  }
0x5e: {  	[sflag:s15] =	ssyncadd.s32 $0xFFFFFF80  }
0x5f: {  	[tilespmem:s14], [sflag:$0x1] =	stream.indirect.gather [hbm4b:s4+s16], $0x80, s3, s16, $0xb8;
	[tilespmem:$0x18100] =	vst v63  }
0x60: {  	_ =	swait.ge [sflag:s17], $0x4000  }
0x61: {  	[sflag:s17] =	ssyncset.done $0x0  }
0x62: {  	[sflag:s17] =	ssyncadd.s32 $0xFFFFC000  }
0x63: {  	[spmem:s2] =	stream.indirect.scatter.add.f32 [tilespmem:s14], [sflag:$0x2], $0x80, s16, s16, $0xb8;
	[tilespmem:$0x18100] =	vst v63  }
0x64: {  	_ =	swait.ge [sflag:s15], $0x4000  }
0x65: {  	s20 =	sadd.s32 $0x1, s20;
	[sflag:s15] =	ssyncset.done $0x0  }
0x66: {  	p0 =	sne.s32 s20, s11;
	[sflag:s15] =	ssyncadd.s32 $0xFFFFC000  }
.Ltmp2:
0x67: {  	[bflag:$0x0] =	sbarrier.arrive $0xFFFF;
	(pc) =	sbr.rel @p0 .LBB2_1-.Ltmp2, $4  }
0x68: {  	[hbm:s10], [sflag:s18] =	dma.local [spmem:s19], $0x2800  }
0x69: {  	_ =	swait.ge [sflag:s15], $0x2800  }
0x6a: {  	[sflag:s15] =	ssyncset.done $0x0  }
0x6b: {  	[sflag:s15] =	ssyncadd.s32 $0xFFFFD800  }
0x6c: {  	_ =	sfence.sel $0x180000  }
0x6d: {  	[bflag:$0x0] =	sbarrier.arrive $0xFFFF  }
0x6e: {  	p0 =	sne.s32 s0, $0x0;
	_ =	strace $0x9000004D  }
0x6f: {  	s0 =	sadd.s32 @!p0 $0x100000, s1;
	[bflag:$0x2] =	sbarrier.arrive $0xFFFF  }
0x70: {  	[sflag:s0] =	ssyncadd.tile.s32 @!p0 $0x1;
	_ =	shalt  }
.Lfunc_end2:
_tile_overlayer_lowered:
.L_overlay_start_2:
0x71: {  	(tag) =	ssettag $0x2  }
0x72: {  	s0 =	rddreg [dreg:$0x0];
	s2 =	stileid.u32  }
0x73: {  	s1 =	rddreg [dreg:$0x1];
	p0 =	sne.s32 s2, $0x0  }
0x74: {  	s3 =	rddreg [dreg:$0x2];
	[bflag:$0x3] =	sbarrier.arrive $0xFFFF;
	s2 =	simm.s32 @!p0 $0x1C02  }
0x75: {  	[timem:s3], [sflag:s2] =	dma.local @!p0 [hbm:s0], s1  }
0x76: {  	s0 =	simm.s32 @!p0 $0x2  }
0x77: {  	_ =	swait.ge @!p0 [sflag:s0], s1  }
0x78: {  	s1 =	ssub.s32 @!p0 $0x0, s1;
	[sflag:s0] =	ssyncset.done @!p0 $0x0  }
0x79: {  	[sflag:s0] =	ssyncadd.s32 @!p0 s1  }
0x7a: {  	[bflag:$0x3] =	sbarrier.arrive $0xFFFF  }
0x7b: {  	_ =	shalt  }

// kernel: kernel.8.cloned.1.call-start
scs
__scs_entry_jumppad:
0x0: {  	(pc) =	sbr.rel $0x88, $3  }
0x1: {  	(tag) =	ssettag $0x0;
	lr =	simm.s32 $0x1  }
0x2: {  	[smem:$0x3F95] =	sst lr;
	_ =	strace $0xD0000000  }
0x3: {  	_ = 	snop  }
0x4: {  	_ = 	snop  }
0x5: {  	_ = 	snop  }
0x6: {  	_ = 	snop  }
0x7: {  	_ = 	snop  }
__scs_overlays_trampoline_lowered:
0x8: {  	[smem:$0x3FA4] =	sst s0  }
0x9: {  	[smem:$0x3FA5] =	sst s1  }
0xa: {  	[smem:$0x3FA6] =	sst s2  }
0xb: {  	[smem:$0x3FA7] =	sst s3  }
0xc: {  	[smem:$0x3FA8] =	sst s4  }
0xd: {  	[smem:$0x3FA9] =	sst s5  }
0xe: {  	[smem:$0x3FAA] =	sst s6  }
0xf: {  	[smem:$0x3FAB] =	sst s7  }
0x10: {  	[smem:$0x3FAC] =	sst s8  }
0x11: {  	[smem:$0x3FAD] =	sst s9;
	s0 =	simm.s32 @!p0 $0x0  }
0x12: {  	s1 =	sld [smem:$0x3F93];
	s0 =	simm.s32 @p0 $0x1  }
0x13: {  	[smem:$0x3FAE] =	sst s0;
	s0 =	simm.s32 @!p1 $0x0  }
0x14: {  	s2 =	sld [smem:$0x3F92];
	s0 =	simm.s32 @p1 $0x1  }
0x15: {  	[smem:$0x3FAF] =	sst s0;
	s0 =	simm.s32 @!p2 $0x0  }
0x16: {  	s3 =	sld [smem:$0x3FDB];
	s0 =	simm.s32 @p2 $0x1  }
0x17: {  	s4 =	simm.s32 $0x1BF5;
	[smem:$0x3FB1] =	sst s0  }
0x18: {  	s0 =	sld [smem:$0x3F94];
	_ =	swait.ge [sflag:s4], $0x0  }
0x19: {  	s7 =	sld [smem:$0x3F95]  }
0x1a: {  	s8 =	sadd.s32 $0xFFFFE003, lr  }
0x1b: {  	s9 =	sadd.s32 $0xFFFFFEF7, lr;
	s5 =	simm.s32 $0xFFFFFFFF;
	p2 =	slt.u32 s8, $0xFFFFF086  }
0x1c: {  	p1 =	slt.u32 s9, $0xF7A;
	s5 =	simm.s32 @!p2 $0x0  }
0x1d: {  	s5 =	simm.s32 @p1 $0x1;
	p0 =	seq.s32 s7, s2  }
0x1e: {  	s7 =	smul.u32 @!p0 $0xF7A, s2;
	p2 =	seq.s32 @!p0 s5, $0x0  }
0x1f: {  	s9 =	smul.u32 $0xF7A, s1;
	s8 =	simm.s32 @!p0 $0x1BF5;
	p2 =	por !p2, p0  }
0x20: {  	[sflag:s8] =	ssyncset.s32 @!p0 $0xFFFFF086;
	s6 =	sadd.s32 @!p0 s3, s7;
	s7 =	simm.s32 @!p0 $0x108  }
0x21: {  	s3 =	sadd.s32 s3, s9;
	s6 =	sadd.s32 @!p0 $0x88, s6;
	s7 =	simm.s32 @p2 $0x1082  }
0x22: {  	[simem:s7], [sflag:s8] =	dma.local @!p0 [hbm:s6], $0xF7A  }
0x23: {  	s9 =	sor.u32 $0xD0000000, s2;
	s6 =	simm.s32 $0x108;
	_ =	swait.ge @!p0 [sflag:s8], $0x0  }
0x24: {  	s3 =	sadd.s32 $0x88, s3;
	s6 =	simm.s32 @!p1 $0x1082;
	[sflag:s4] =	ssyncset.s32 $0xFFFFF086  }
0x25: {  	[simem:s6], [sflag:s4] =	dma.local [hbm:s3], $0xF7A  }
0x26: {  	[smem:$0x3F95] =	sst s1;
	(tag) =	ssettag s2;
	_ =	strace s9  }
0x27: {  	s1 =	sld [smem:$0x3FA5]  }
0x28: {  	s2 =	sld [smem:$0x3FA6]  }
0x29: {  	s4 =	sld [smem:$0x3FA8]  }
0x2a: {  	p0 =	seq.s32 s5, $0x0;
	s5 =	sld [smem:$0x3FA9]  }
0x2b: {  	s6 =	sld [smem:$0x3FAA]  }
0x2c: {  	s7 =	sld [smem:$0x3FAB]  }
0x2d: {  	s3 =	simm.s32 $0x108;
	s8 =	sld [smem:$0x3FAC]  }
0x2e: {  	s3 =	simm.s32 @!p0 $0x1082;
	s9 =	sld [smem:$0x3FAD]  }
0x2f: {  	lr =	sadd.s32 s0, s3;
	s0 =	sld [smem:$0x3FA4]  }
0x30: {  	s3 =	sld [smem:$0x3FA7]  }
0x31: {  	[smem:$0x3FB0] =	sst s10  }
0x32: {  	s10 =	sld [smem:$0x3FAE];
	_ =	sdelay $0x3  }
0x33: {  	p0 =	seq.s32 s10, $0x1;
	s10 =	sld [smem:$0x3FB0];
	_ =	sdelay $0x3  }
0x34: {  	[smem:$0x3FB0] =	sst s10  }
0x35: {  	s10 =	sld [smem:$0x3FAF];
	_ =	sdelay $0x3  }
0x36: {  	p1 =	seq.s32 s10, $0x1;
	s10 =	sld [smem:$0x3FB0];
	_ =	sdelay $0x3  }
0x37: {  	[smem:$0x3FB0] =	sst s10  }
0x38: {  	s10 =	sld [smem:$0x3FB1]  }
0x39: {  	_ = 	snop;
	(pc) =	sbr.ind lr, $3  }
0x3a: {  	_ = 	snop  }
0x3b: {  	_ = 	snop  }
0x3c: {  	p2 =	seq.s32 s10, $0x1;
	s10 =	sld [smem:$0x3FB0]  }
0x3d: {  	_ =	shalt  }
0x3e: {  	_ =	shalt  }
0x3f: {  	_ =	shalt  }
0x40: {  	_ =	shalt  }
0x41: {  	_ =	shalt  }
0x42: {  	_ =	shalt  }
0x43: {  	_ =	shalt  }
0x44: {  	_ =	shalt  }
0x45: {  	_ =	shalt  }
0x46: {  	_ =	shalt  }
0x47: {  	_ =	shalt  }
0x48: {  	_ =	shalt  }
0x49: {  	_ =	shalt  }
0x4a: {  	_ =	shalt  }
0x4b: {  	_ =	shalt  }
0x4c: {  	_ =	shalt  }
0x4d: {  	_ =	shalt  }
0x4e: {  	_ =	shalt  }
0x4f: {  	_ =	shalt  }
0x50: {  	_ =	shalt  }
0x51: {  	_ =	shalt  }
0x52: {  	_ =	shalt  }
0x53: {  	_ =	shalt  }
0x54: {  	_ =	shalt  }
0x55: {  	_ =	shalt  }
0x56: {  	_ =	shalt  }
0x57: {  	_ =	shalt  }
0x58: {  	_ =	shalt  }
0x59: {  	_ =	shalt  }
0x5a: {  	_ =	shalt  }
0x5b: {  	_ =	shalt  }
0x5c: {  	_ =	shalt  }
0x5d: {  	_ =	shalt  }
0x5e: {  	_ =	shalt  }
0x5f: {  	_ =	shalt  }
0x60: {  	_ =	shalt  }
0x61: {  	_ =	shalt  }
0x62: {  	_ =	shalt  }
0x63: {  	_ =	shalt  }
0x64: {  	_ =	shalt  }
0x65: {  	_ =	shalt  }
0x66: {  	_ =	shalt  }
0x67: {  	_ =	shalt  }
0x68: {  	_ =	shalt  }
0x69: {  	_ =	shalt  }
0x6a: {  	_ =	shalt  }
0x6b: {  	_ =	shalt  }
0x6c: {  	_ =	shalt  }
0x6d: {  	_ =	shalt  }
0x6e: {  	_ =	shalt  }
0x6f: {  	_ =	shalt  }
0x70: {  	_ =	shalt  }
0x71: {  	_ =	shalt  }
0x72: {  	_ =	shalt  }
0x73: {  	_ =	shalt  }
0x74: {  	_ =	shalt  }
0x75: {  	_ =	shalt  }
0x76: {  	_ =	shalt  }
0x77: {  	_ =	shalt  }
0x78: {  	_ =	shalt  }
0x79: {  	_ =	shalt  }
0x7a: {  	_ =	shalt  }
0x7b: {  	_ =	shalt  }
0x7c: {  	_ =	shalt  }
0x7d: {  	_ =	shalt  }
0x7e: {  	_ =	shalt  }
0x7f: {  	_ =	shalt  }
0x80: {  	_ =	shalt  }
0x81: {  	_ =	shalt  }
0x82: {  	_ =	shalt  }
0x83: {  	_ =	shalt  }
0x84: {  	_ =	shalt  }
0x85: {  	_ =	shalt  }
0x86: {  	_ =	shalt  }
0x87: {  	_ =	shalt  }
.Lfunc_end0:
.L_simem_size_0:
called_computation_lowered:
.L_overlay_start_0:
0x88: {  	s2 =	sld [smem:$0x3FD9]  }
0x89: {  	s3 =	sld [smem:$0x3FFE];
	_ =	sdelay $0x1  }
0x8a: {  	s1 =	srdreg.scid  }
0x8b: {  	s0 =	sand.u32 $0x1, s1  }
0x8c: {  	s17 =	sshll.u32 s0, $0xA;
	s2 =	sadd.s32 s3, s2  }
0x8d: {  	s2 =	sadd.s32 s2, s17  }
0x8e: {  	[smem:$0x3FBC] =	sst s2  }
0x8f: {  	_ = 	snop  }
0x90: {  	s2 =	sld [smem:$0x3FD0];
	(tm) =	ssettm $0x1  }
0x91: {  	s18 =	sld [smem:$0x3FFB];
	_ =	sdelay $0x3  }
0x92: {  	_ =	strace s18  }
0x93: {  	s3 =	sld [smem:$0x3FFC];
	_ =	sdelay $0x3  }
0x94: {  	_ =	strace s3  }
0x95: {  	s3 =	sld [smem:$0x3FFD];
	_ =	sdelay $0x3  }
0x96: {  	_ =	strace s3  }
0x97: {  	_ =	strace $0x8FFFFFFF  }
0x98: {  	s19 =	sld [smem:$0x3FDB];
	_ =	sdelay $0x1  }
0x99: {  	s4 =	simm.s32 $_scs_section_size  }
0x9a: {  	s5 =	simm.s32 $_size__tile_overlayer_lowered;
	s6 =	simm.s32 $_tile_overlayer_lowered  }
0x9b: {  	s22 =	simm.s32 $0x1BFF;
	s21 =	sshll.u32 s6, $0x1;
	s3 =	sadd.s32 s4, s19  }
0x9c: {  	s7 =	simm.s32 $0x0;
	s20 =	sshll.u32 s5, $0x1;
	s5 =	sadd.s32 s21, s3  }
0x9d: {  	[timem:s7], [sflag:s22] =	dma.local [hbm:s5], s20  }
0x9e: {  	_ =	swait.ge [sflag:s22], s20  }
0x9f: {  	s4 =	ssub.s32 $0x0, s20;
	[sflag:s22] =	ssyncset.done $0x0  }
0xa0: {  	[sflag:s22] =	ssyncadd.s32 s4;
	_ =	sdelay $0x1  }
0xa1: {  	s23 =	simm.s32 $0x1B8B  }
0xa2: {  	_ =	swait.ge [sflag:s23], $0x1  }
0xa3: {  	[sflag:s23] =	ssyncset.done $0x0  }
0xa4: {  	s25 =	simm.s32 $0x1B8E;
	s24 =	sld [smem:$0x3FFE];
	[sflag:s23] =	ssyncadd.s32 $0xFFFFFFFF  }
0xa5: {  	s26 =	simm.s32 $execute0_lowered;
	[smem:$0x3FD2] =	sst s25  }
0xa6: {  	s5 =	sshll.u32 s26, $0x1;
	_ =	strace $0x80000046;
	[dreg:$0x1] =	wrdreg $0xFFFFFFFF  }
0xa7: {  	s28 =	simm.s32 $_size_execute0_lowered;
	s3 =	sadd.s32 s3, s5;
	[dreg:$0x0] =	wrdreg $0x0  }
0xa8: {  	s5 =	sshll.u32 s28, $0x1;
	[dreg:$0x2] =	wrdreg s3  }
0xa9: {  	[dreg:$0x3] =	wrdreg s5  }
0xaa: {  	[dreg:$0x4] =	wrdreg $0xC0  }
0xab: {  	_ =	task [dreg:s7], $0x5FFFF  }
0xac: {  	[dreg:$0x1] =	wrdreg $0xFFFFFFFF  }
0xad: {  	[dreg:$0x0] =	wrdreg $0x60  }
0xae: {  	[dreg:$0x2] =	wrdreg s2  }
0xaf: {  	[dreg:$0x3] =	wrdreg s24  }
0xb0: {  	[dreg:$0x4] =	wrdreg $0x3800  }
0xb1: {  	[dreg:$0x5] =	wrdreg $0x9  }
0xb2: {  	_ =	task.clear_ibuf [dreg:s7], $0x6FFFF;
	_ =	strace $0x90000046  }
0xb3: {  	s29 =	simm.s32 $0x9;
	_ =	strace $0x80000048  }
0xb4: {  	_ =	swait.ge [sflag:s29], $0x1  }
0xb5: {  	[sflag:s29] =	ssyncadd.s32 $0xFFFFFFFF  }
0xb6: {  	_ =	strace $0x90000048  }
0xb7: {  	_ =	sfence  }
0xb8: {  	s30 =	sld [smem:$0x0];
	_ =	sdelay $0x2  }
0xb9: {  	s31 =	sshll.u32 s1, $0xD;
	s1 =	sshrl.u32 s1, $0x2  }
0xba: {  	s3 =	sand.u32 $0x4000, s31;
	s1 =	sadd.s32 s1, s30  }
0xbb: {  	s0 =	sor.u32 s3, s0;
	s1 =	sshll.u32 s1, $0x11  }
0xbc: {  	s0 =	sor.u32 s1, s0  }
0xbd: {  	s0 =	sadd.s32 $0x8F2B, s0  }
0xbe: {  	[sflag:s0] =	ssyncadd.remote.s32 $0x1  }
0xbf: {  	_ =	sfence.sel $0xFFFF  }
0xc0: {  	[dreg:$0x0] =	wrdreg $0xFFFFFFFF;
	(pc) =	sbr.abs _section_cstart, $3  }
0xc1: {  	[dreg:$0x1] =	wrdreg $0xFFFFFFFF  }
0xc2: {  	_ =	task.clear_ibuf [dreg:s7], $0x2FFFF;
	_ =	strace $0x9FFFFFFF  }
0xc3: {  	(tm) =	ssettm $0x7FFFFFFF  }
tec
execute0_lowered:
.L_overlay_start_1:
0x0: {  	(tag) =	ssettag $0x1  }
0x1: {  	s6 =	rddreg [dreg:$0x0]  }
0x2: {  	s4 =	rddreg [dreg:$0x1];
	s1 =	srdreg.scid  }
0x3: {  	s0 =	stileid.u32;
	s2 =	rddreg [dreg:$0x2];
	s3 =	simm.s32 $0x0  }
0x4: {  	s5 =	sand.u32 $0x1, s1;
	s7 =	smul.u32 $0x280, s0;
	s1 =	rddreg [dreg:$0x3]  }
0x5: {  	[smem:$0x7FF] =	sst s3;
	s11 =	smul.u32 $0x9E0, s0  }
0x6: {  	s8 =	smul.u32 $0x2800, s5;
	_ =	strace $0x80000047;
	s9 =	ssub.s32 $0x2, s5  }
0x7: {  	s30 =	smul.u32 $0x4F0, s5;
	s10 =	sshrl.u32 s9, $0x1;
	s31 =	sadd.s32 s11, s6  }
0x8: {  	s11 =	simm.s32 $0x0;
	s8 =	sadd.s32 s7, s8;
	s9 =	ssub.s32 s9, s10  }
0x9: {  	s10 =	simm.s32 $0x80;
	s8 =	sshrl.u32 s8, $0x3;
	s6 =	smax.u32 s9, $0x1  }
0xa: {  	s9 =	simm.s32 $0x1;
	s8 =	sadd.s32 s8, s4;
	s4 =	sadd.s32 s7, s2  }
0xb: {  	v0 =	vimm.f32 $1.000000000e+00;
	v1 =	vimm.f32 $0.0e+00;
	s7 =	sadd.s32 s30, s31;
	s5 =	sadd.s32 $0x2800, s8;
	s8 =	simm.s32 $0x100  }
.LBB2_1:
0xc: {  	[tilespmem:$0x80] =	vst v0  }
0xd: {  	[tilespmem:$0x90] =	vst v0  }
0xe: {  	[tilespmem:$0xA0] =	vst v0  }
0xf: {  	[tilespmem:$0xB0] =	vst v0  }
0x10: {  	[tilespmem:$0xC0] =	vst v0  }
0x11: {  	[tilespmem:$0xD0] =	vst v0  }
0x12: {  	[tilespmem:$0xE0] =	vst v0  }
0x13: {  	[tilespmem:$0xF0] =	vst v0  }
0x14: {  	[tilespmem:$0x100] =	vst v1  }
0x15: {  	[tilespmem:$0x110] =	vst v1  }
0x16: {  	[tilespmem:$0x120] =	vst v1  }
0x17: {  	[tilespmem:$0x130] =	vst v1  }
0x18: {  	[tilespmem:$0x140] =	vst v1  }
0x19: {  	[tilespmem:$0x150] =	vst v1  }
0x1a: {  	[tilespmem:$0x160] =	vst v1  }
0x1b: {  	[tilespmem:$0x170] =	vst v1  }
0x1c: {  	[tilespmem:$0x180] =	vst v1  }
0x1d: {  	[tilespmem:$0x190] =	vst v1  }
0x1e: {  	[tilespmem:$0x1A0] =	vst v1  }
0x1f: {  	[tilespmem:$0x1B0] =	vst v1  }
0x20: {  	[tilespmem:$0x1C0] =	vst v1  }
0x21: {  	[tilespmem:$0x1D0] =	vst v1  }
0x22: {  	[tilespmem:$0x1E0] =	vst v1  }
0x23: {  	[tilespmem:$0x1F0] =	vst v1  }
0x24: {  	[tilespmem:$0x200] =	vst v1  }
0x25: {  	[tilespmem:$0x210] =	vst v1  }
0x26: {  	[tilespmem:$0x220] =	vst v1  }
0x27: {  	[tilespmem:$0x230] =	vst v1  }
0x28: {  	[tilespmem:$0x240] =	vst v1  }
0x29: {  	[tilespmem:$0x250] =	vst v1  }
0x2a: {  	[tilespmem:$0x260] =	vst v1  }
0x2b: {  	[tilespmem:$0x270] =	vst v1  }
0x2c: {  	[tilespmem:$0x280] =	vst v1  }
0x2d: {  	[tilespmem:$0x290] =	vst v1  }
0x2e: {  	[tilespmem:$0x2A0] =	vst v1  }
0x2f: {  	[tilespmem:$0x2B0] =	vst v1  }
0x30: {  	[tilespmem:$0x2C0] =	vst v1  }
0x31: {  	[tilespmem:$0x2D0] =	vst v1  }
0x32: {  	[tilespmem:$0x2E0] =	vst v1  }
0x33: {  	[tilespmem:$0x2F0] =	vst v1  }
0x34: {  	[tilespmem:$0x300] =	vst v1  }
0x35: {  	[tilespmem:$0x310] =	vst v1  }
0x36: {  	[tilespmem:$0x320] =	vst v1  }
0x37: {  	[tilespmem:$0x330] =	vst v1  }
0x38: {  	[tilespmem:$0x340] =	vst v1  }
0x39: {  	[tilespmem:$0x350] =	vst v1  }
0x3a: {  	[tilespmem:$0x360] =	vst v1  }
0x3b: {  	[tilespmem:$0x370] =	vst v1  }
0x3c: {  	[spmem:s4] =	stream.linear.scatter [tilespmem:s8], [sflag:$0x1], $0x280, $0x38;
	[tilespmem:$0x600] =	vst v63  }
0x3d: {  	_ =	swait.ge [sflag:s9], $0x280  }
0x3e: {  	[sflag:s9] =	ssyncset.done $0x0  }
0x3f: {  	[sflag:s9] =	ssyncadd.s32 $0xFFFFFD80  }
0x40: {  	s12 =	sadd.s32 $0x0, s7;
	[bflag:$0x0] =	sbarrier.arrive $0xFFFF  }
0x41: {  	[tilespmem:s3], [sflag:$0x1] =	stream.linear.gather [hbm4b:s12+s3], $0x80, $0x38;
	[tilespmem:$0x600] =	vst v63  }
0x42: {  	_ =	swait.ge [sflag:s9], $0x80  }
0x43: {  	[sflag:s9] =	ssyncset.done $0x0  }
0x44: {  	[sflag:s9] =	ssyncadd.s32 $0xFFFFFF80  }
0x45: {  	[spmem:s2] =	stream.indirect.scatter.add.f32 [tilespmem:s10], [sflag:$0x1], $0x1, s3, s10, $0xb8;
	[tilespmem:$0x600] =	vst v63  }
0x46: {  	_ =	swait.ge [sflag:s9], $0x80  }
0x47: {  	s13 =	simm.s32 $0x20;
	s12 =	simm.s32 $0x10;
	[sflag:s9] =	ssyncset.done $0x0  }
.LBB2_2:
0x48: {  	s14 =	sadd.s32 s12, s7  }
0x49: {  	[sflag:s9] =	ssyncadd.s32 $0xFFFFFF80;
	s12 =	smov.u32 s13;
	s15 =	sadd.s32 $0x10, s13  }
0x4a: {  	[tilespmem:s3], [sflag:$0x1] =	stream.linear.gather [hbm4b:s14+s3], $0x80, $0x38;
	[tilespmem:$0x600] =	vst v63  }
0x4b: {  	p0 =	sne.s32 s13, $0x4E0;
	_ =	swait.ge [sflag:s9], $0x80  }
.Ltmp0:
0x4c: {  	[sflag:s9] =	ssyncset.done $0x0;
	(pc) =	sbr.rel @p0 .LBB2_2-.Ltmp0, $4  }
0x4d: {  	[sflag:s9] =	ssyncadd.s32 $0xFFFFFF80  }
0x4e: {  	[spmem:s2] =	stream.indirect.scatter.add.f32 [tilespmem:s10], [sflag:$0x1], $0x1, s3, s10, $0xb8;
	[tilespmem:$0x600] =	vst v63  }
0x4f: {  	_ =	swait.ge [sflag:s9], $0x80  }
0x50: {  	s13 =	smov.u32 s15;
	[sflag:s9] =	ssyncset.done $0x0  }
0x51: {  	s12 =	sadd.s32 s12, s7;
	[sflag:s9] =	ssyncadd.s32 $0xFFFFFF80  }
0x52: {  	[tilespmem:s3], [sflag:$0x1] =	stream.linear.gather [hbm4b:s12+s3], $0x80, $0x38;
	[tilespmem:$0x600] =	vst v63  }
0x53: {  	_ =	swait.ge [sflag:s9], $0x80  }
0x54: {  	[sflag:s9] =	ssyncset.done $0x0  }
0x55: {  	[sflag:s9] =	ssyncadd.s32 $0xFFFFFF80  }
0x56: {  	[spmem:s2] =	stream.indirect.scatter.add.f32 [tilespmem:s10], [sflag:$0x1], $0x1, s3, s10, $0xb8;
	[tilespmem:$0x600] =	vst v63  }
0x57: {  	_ =	swait.ge [sflag:s9], $0x80  }
0x58: {  	[sflag:s9] =	ssyncset.done $0x0  }
0x59: {  	[sflag:s9] =	ssyncadd.s32 $0xFFFFFF80  }
0x5a: {  	[bflag:$0x0] =	sbarrier.arrive $0xFFFF  }
0x5b: {  	[tilespmem:s8], [sflag:$0x1] =	stream.linear.gather [spmem:s4], $0x280, $0x38;
	[tilespmem:$0x600] =	vst v63  }
0x5c: {  	s11 =	sadd.s32 $0x1, s11;
	_ =	swait.ge [sflag:s9], $0x280  }
0x5d: {  	p0 =	sne.s32 s11, s6;
	[sflag:s9] =	ssyncset.done $0x0  }
.Ltmp1:
0x5e: {  	[sflag:s9] =	ssyncadd.s32 $0xFFFFFD80;
	(pc) =	sbr.rel @p0 .LBB2_1-.Ltmp1, $4  }
0x5f: {  	[hbm4b:s5+s3] =	stream.linear.scatter [tilespmem:s8], [sflag:$0x1], $0x280, $0x38;
	[tilespmem:$0x600] =	vst v63  }
0x60: {  	_ =	swait.ge [sflag:s9], $0x280  }
0x61: {  	[sflag:s9] =	ssyncset.done $0x0  }
0x62: {  	[sflag:s9] =	ssyncadd.s32 $0xFFFFFD80  }
0x63: {  	_ =	sfence.sel $0x180000  }
0x64: {  	[bflag:$0x0] =	sbarrier.arrive $0xFFFF  }
0x65: {  	p0 =	sne.s32 s0, $0x0;
	_ =	strace $0x90000047  }
0x66: {  	s0 =	sadd.s32 @!p0 $0x100000, s1;
	[bflag:$0x2] =	sbarrier.arrive $0xFFFF  }
0x67: {  	[sflag:s0] =	ssyncadd.tile.s32 @!p0 $0x1;
	_ =	shalt  }
.Lfunc_end2:
_tile_overlayer_lowered:
.L_overlay_start_2:
0x68: {  	(tag) =	ssettag $0x2  }
0x69: {  	s0 =	rddreg [dreg:$0x0];
	s2 =	stileid.u32  }
0x6a: {  	s1 =	rddreg [dreg:$0x1];
	p0 =	sne.s32 s2, $0x0  }
0x6b: {  	s3 =	rddreg [dreg:$0x2];
	[bflag:$0x3] =	sbarrier.arrive $0xFFFF;
	s2 =	simm.s32 @!p0 $0x1C01  }
0x6c: {  	[timem:s3], [sflag:s2] =	dma.local @!p0 [hbm:s0], s1  }
0x6d: {  	s0 =	simm.s32 @!p0 $0x1  }
0x6e: {  	_ =	swait.ge @!p0 [sflag:s0], s1  }
0x6f: {  	s1 =	ssub.s32 @!p0 $0x0, s1;
	[sflag:s0] =	ssyncset.done @!p0 $0x0  }
0x70: {  	[sflag:s0] =	ssyncadd.s32 @!p0 s1  }
0x71: {  	[bflag:$0x3] =	sbarrier.arrive $0xFFFF  }
0x72: {  	_ =	shalt  }

</sc_bundles>
